<compile_context>
chip_gen: v7x
topology: tpu7x:2x2x1
jax: 0.10.2.dev20260603
libtpu: 0.0.44.dev20260713+nightly
codegen_flags: <defaults>
</compile_context>

<pallas_src>
import functools

import jax
import jax.numpy as jnp
from jax import lax
from jax.experimental import pallas as pl
from jax.experimental.pallas import tpu as pltpu
from jax.experimental.pallas import tpu_sc as plsc

_B, _S, _D = 4, 8192, 1024
_S_SC = 1024
_S_TC = _S - _S_SC
_NC, _NS = 2, 16
_NW = _NC * _NS
_RPW = _S_SC // _NW
_CH = 16
_NCHUNK = _RPW // _CH
_CH_TC = 512
_NCHUNK_TC = _S_TC // _CH_TC


def _alloc_body(o_ref):
    pass


def _alloc_out():
    return pl.pallas_call(
        _alloc_body,
        out_specs=pl.BlockSpec(memory_space=pl.ANY),
        out_shape=jax.ShapeDtypeStruct((_B, _S, _D), jnp.float32),
    )()


def _flat_copy(w_hbm, buf_hbm, bufs, rsems, wsem, base, ch, nchunk):
    reads = [
        pltpu.async_copy(
            w_hbm.at[pl.ds(base + i * ch, ch)], bufs[i], rsems[i])
        for i in range(nchunk)
    ]
    writes = []
    for i in range(nchunk):
        reads[i].wait()
        writes.extend(
            pltpu.async_copy(
                bufs[i], buf_hbm.at[b, pl.ds(base + i * ch, ch)], wsem)
            for b in range(_B))
    for h in writes:
        h.wait()


@functools.partial(
    pl.kernel,
    out_type=jax.ShapeDtypeStruct((16,), jnp.float32),
    mesh=plsc.VectorSubcoreMesh(core_axis_name="c", subcore_axis_name="s"),
    scratch_types=(
        [pltpu.VMEM((_CH, _D), jnp.float32) for _ in range(_NCHUNK)]
        + [pltpu.SemaphoreType.DMA for _ in range(_NCHUNK + 1)]
    ),
)
def _sc_tail_writer(w_hbm, buf_hbm, dummy_out, *scratch):
    del dummy_out
    bufs = scratch[:_NCHUNK]
    rsems = scratch[_NCHUNK:2 * _NCHUNK]
    wsem = scratch[2 * _NCHUNK]
    c = lax.axis_index("c")
    s = lax.axis_index("s")
    wid = s * _NC + c
    base = _S_TC + wid * _RPW
    _flat_copy(w_hbm, buf_hbm, bufs, rsems, wsem, base, _CH, _NCHUNK)


def _tc_head_writer_body(w_hbm, buf_hbm, o_ref, *scratch):
    o_ref[...] = jnp.zeros_like(o_ref)
    bufs = scratch[:_NCHUNK_TC]
    rsems = scratch[_NCHUNK_TC:2 * _NCHUNK_TC]
    wsem = scratch[2 * _NCHUNK_TC]
    _flat_copy(w_hbm, buf_hbm, bufs, rsems, wsem, 0, _CH_TC, _NCHUNK_TC)


def _tc_head_writer(weight, buf):
    return pl.pallas_call(
        _tc_head_writer_body,
        in_specs=[
            pl.BlockSpec(memory_space=pl.ANY),
            pl.BlockSpec(memory_space=pl.ANY),
        ],
        out_specs=pl.BlockSpec(memory_space=pltpu.VMEM),
        out_shape=jax.ShapeDtypeStruct((8, 128), jnp.float32),
        scratch_shapes=(
            [pltpu.VMEM((_CH_TC, _D), jnp.float32)
             for _ in range(_NCHUNK_TC)]
            + [pltpu.SemaphoreType.DMA for _ in range(_NCHUNK_TC + 1)]
        ),
    )(weight, buf)


def _finish_body(buf_ref, d_sc_ref, d_tc_ref, o_ref):
    pass


def _finish(buf, d_sc, d_tc):
    return pl.pallas_call(
        _finish_body,
        in_specs=[
            pl.BlockSpec(memory_space=pl.ANY),
            pl.BlockSpec(memory_space=pl.ANY),
            pl.BlockSpec(memory_space=pltpu.VMEM),
        ],
        out_specs=pl.BlockSpec(memory_space=pl.ANY),
        out_shape=jax.ShapeDtypeStruct((_B, _S, _D), jnp.float32),
        input_output_aliases={0: 0},
    )(buf, d_sc, d_tc)


def kernel(x, weight):
    buf = _alloc_out()
    d_sc = _sc_tail_writer(weight, buf)
    d_tc = _tc_head_writer(weight, buf)
    return _finish(buf, d_sc, d_tc)

# --- scband reference (transcript-rebuilt; emitter-appended) ---
"""Pipeline reference for scband-positional-embedding-17652315586624 (READ-ONLY COPY).

The authoritative reference and input builder live on the scoring server;
editing this copy changes nothing except your own understanding.
"""

import jax, jax.numpy as jnp
import numpy as np

MAX_LENGTH = 8192
EMBED_DIM = 1024
BATCH = 4
SEQ = 8192

def _trunc_normal(key, shape, std, low, high):
    # truncated normal in [low, high] with given std (approx of torch trunc_normal_)
    u = jax.random.truncated_normal(key, low / std, high / std, shape, dtype=jnp.float32)
    return u * std

def setup_inputs(seed: int = 0) -> dict:
    key = jax.random.key(seed)
    k_x, k_w = jax.random.split(key)
    x = jax.random.randint(k_x, (BATCH, SEQ), 0, MAX_LENGTH, dtype=jnp.int64)
    # truncated_normal_fixed: std = init_scale * (1/fan_in)**0.5 with fan_in=1, scale=1.0 -> std=1.0
    std = 1.0 * (1.0 / 1.0) ** 0.5
    weight = _trunc_normal(k_w, (MAX_LENGTH, EMBED_DIM), std, -2.0 * std, 2.0 * std)
    return {"x": x, "weight": weight}

def reference(x, weight):
    # positions = arange(S) broadcast over batch via ones_like(x)
    positions = jnp.arange(0, x.shape[-1], dtype=x.dtype) * jnp.ones_like(x)
    embeddings = jnp.take(weight, positions, axis=0)
    return embeddings

if __name__ == "__main__":
    import jax
    _d = setup_inputs()
    print(jax.jit(kernel)(*tuple(_d.values())))

</pallas_src>

<mosaic_0001>
#map = affine_map<(d0, d1) -> (0, 0)>
#map1 = affine_map<(d0, d1) -> (0, 0, 0)>
#map2 = affine_map<(d0, d1) -> (0)>
module attributes {stable_mosaic.version = 14 : i64} {
  func.func @_sc_tail_writer(%arg0: i32, %arg1: i32, %arg2: memref<8192x1024xf32, #tpu.memory_space<hbm>>, %arg3: memref<4x8192x1024xf32, #tpu.memory_space<hbm>>, %arg4: memref<16xf32, #tpu.memory_space<hbm>>, %arg5: memref<16x1024xf32, #tpu.memory_space<vmem>>, %arg6: memref<16x1024xf32, #tpu.memory_space<vmem>>, %arg7: memref<!tpu.dma_semaphore, #tpu.memory_space<semaphore_mem>>, %arg8: memref<!tpu.dma_semaphore, #tpu.memory_space<semaphore_mem>>, %arg9: memref<!tpu.dma_semaphore, #tpu.memory_space<semaphore_mem>>) attributes {dimension_semantics = [#tpu.dimension_semantics<core_parallel>, #tpu.dimension_semantics<subcore_parallel>], iteration_bounds = array<i64: 2, 16>, scalar_prefetch = 0 : i64, scratch_operands = 5 : i64, tpu.core_type = #tpu.core_type<sc_vector_subcore>, window_params = [{transform_indices = #map}, {transform_indices = #map1}, {transform_indices = #map2}]} {
    %mul3A = arith.constant 2 : i32
    %mul3A_0 = arith.muli %arg1, %mul3A : i32
    %add3A = arith.addi %mul3A_0, %arg0 : i32
    %mul3A_1 = arith.constant 32 : i32
    %mul3A_2 = arith.muli %add3A, %mul3A_1 : i32
    %add3A_3 = arith.constant 7168 : i32
    %add3A_4 = arith.addi %add3A_3, %mul3A_2 : i32
    %add3A_5 = arith.constant 0 : i32
    %add3A_6 = arith.addi %add3A_4, %add3A_5 : i32
    %dma_start3A = arith.constant 0 : i32
    %dma_start3A_7 = tpu.memref_slice %arg2[%add3A_6, %dma_start3A] : memref<8192x1024xf32, #tpu.memory_space<hbm>> -> memref<16x1024xf32, #tpu.memory_space<hbm>>
    %dma_start3A_8 = arith.constant 0 : i32
    %dma_start3A_9 = tpu.memref_slice %arg2[%add3A_6, %dma_start3A_8] : memref<8192x1024xf32, #tpu.memory_space<hbm>> -> memref<16x1024xf32, #tpu.memory_space<hbm>>
    tpu.enqueue_dma source(%dma_start3A_9 : memref<16x1024xf32, #tpu.memory_space<hbm>>) target(%arg5 : memref<16x1024xf32, #tpu.memory_space<vmem>>) target_semaphore(%arg7 : memref<!tpu.dma_semaphore, #tpu.memory_space<semaphore_mem>>)
    %add3A_10 = arith.constant 16 : i32
    %add3A_11 = arith.addi %add3A_4, %add3A_10 : i32
    %dma_start3A_12 = arith.constant 0 : i32
    %dma_start3A_13 = tpu.memref_slice %arg2[%add3A_11, %dma_start3A_12] : memref<8192x1024xf32, #tpu.memory_space<hbm>> -> memref<16x1024xf32, #tpu.memory_space<hbm>>
    %dma_start3A_14 = arith.constant 0 : i32
    %dma_start3A_15 = tpu.memref_slice %arg2[%add3A_11, %dma_start3A_14] : memref<8192x1024xf32, #tpu.memory_space<hbm>> -> memref<16x1024xf32, #tpu.memory_space<hbm>>
    tpu.enqueue_dma source(%dma_start3A_15 : memref<16x1024xf32, #tpu.memory_space<hbm>>) target(%arg6 : memref<16x1024xf32, #tpu.memory_space<vmem>>) target_semaphore(%arg8 : memref<!tpu.dma_semaphore, #tpu.memory_space<semaphore_mem>>)
    %dma_wait3A = arith.constant 0 : i32
    %dma_wait3A_16 = tpu.memref_slice %arg2[%add3A_6, %dma_wait3A] : memref<8192x1024xf32, #tpu.memory_space<hbm>> -> memref<16x1024xf32, #tpu.memory_space<hbm>>
    %dma_wait3A_17 = arith.constant 0 : i32
    %dma_wait3A_18 = tpu.memref_slice %arg2[%add3A_6, %dma_wait3A_17] : memref<8192x1024xf32, #tpu.memory_space<hbm>> -> memref<16x1024xf32, #tpu.memory_space<hbm>>
    tpu.wait_dma2 semaphore(%arg7 : memref<!tpu.dma_semaphore, #tpu.memory_space<semaphore_mem>>) src(%dma_wait3A_18 : memref<16x1024xf32, #tpu.memory_space<hbm>>) dst(%arg5 : memref<16x1024xf32, #tpu.memory_space<vmem>>)
    %add3A_19 = arith.constant 0 : i32
    %add3A_20 = arith.addi %add3A_4, %add3A_19 : i32
    %dma_start3A_21 = arith.constant 0 : i32
    %dma_start3A_22 = arith.constant 0 : i32
    %dma_start3A_23 = tpu.memref_slice %arg3[%dma_start3A_21, %add3A_20, %dma_start3A_22] : memref<4x8192x1024xf32, #tpu.memory_space<hbm>> -> memref<1x16x1024xf32, #tpu.memory_space<hbm>>
    %dma_start3A_24 = tpu.memref_squeeze %dma_start3A_23 : memref<1x16x1024xf32, #tpu.memory_space<hbm>> -> memref<16x1024xf32, #tpu.memory_space<hbm>>
    %dma_start3A_25 = arith.constant 0 : i32
    %dma_start3A_26 = tpu.memref_slice %arg3[%dma_start3A_21, %add3A_20, %dma_start3A_25] : memref<4x8192x1024xf32, #tpu.memory_space<hbm>> -> memref<1x16x1024xf32, #tpu.memory_space<hbm>>
    %dma_start3A_27 = tpu.memref_squeeze %dma_start3A_26 : memref<1x16x1024xf32, #tpu.memory_space<hbm>> -> memref<16x1024xf32, #tpu.memory_space<hbm>>
    tpu.enqueue_dma source(%arg5 : memref<16x1024xf32, #tpu.memory_space<vmem>>) target(%dma_start3A_27 : memref<16x1024xf32, #tpu.memory_space<hbm>>) target_semaphore(%arg9 : memref<!tpu.dma_semaphore, #tpu.memory_space<semaphore_mem>>)
    %add3A_28 = arith.constant 0 : i32
    %add3A_29 = arith.addi %add3A_4, %add3A_28 : i32
    %dma_start3A_30 = arith.constant 1 : i32
    %dma_start3A_31 = arith.constant 0 : i32
    %dma_start3A_32 = tpu.memref_slice %arg3[%dma_start3A_30, %add3A_29, %dma_start3A_31] : memref<4x8192x1024xf32, #tpu.memory_space<hbm>> -> memref<1x16x1024xf32, #tpu.memory_space<hbm>>
    %dma_start3A_33 = tpu.memref_squeeze %dma_start3A_32 : memref<1x16x1024xf32, #tpu.memory_space<hbm>> -> memref<16x1024xf32, #tpu.memory_space<hbm>>
    %dma_start3A_34 = arith.constant 0 : i32
    %dma_start3A_35 = tpu.memref_slice %arg3[%dma_start3A_30, %add3A_29, %dma_start3A_34] : memref<4x8192x1024xf32, #tpu.memory_space<hbm>> -> memref<1x16x1024xf32, #tpu.memory_space<hbm>>
    %dma_start3A_36 = tpu.memref_squeeze %dma_start3A_35 : memref<1x16x1024xf32, #tpu.memory_space<hbm>> -> memref<16x1024xf32, #tpu.memory_space<hbm>>
    tpu.enqueue_dma source(%arg5 : memref<16x1024xf32, #tpu.memory_space<vmem>>) target(%dma_start3A_36 : memref<16x1024xf32, #tpu.memory_space<hbm>>) target_semaphore(%arg9 : memref<!tpu.dma_semaphore, #tpu.memory_space<semaphore_mem>>)
    %add3A_37 = arith.constant 0 : i32
    %add3A_38 = arith.addi %add3A_4, %add3A_37 : i32
    %dma_start3A_39 = arith.constant 2 : i32
    %dma_start3A_40 = arith.constant 0 : i32
    %dma_start3A_41 = tpu.memref_slice %arg3[%dma_start3A_39, %add3A_38, %dma_start3A_40] : memref<4x8192x1024xf32, #tpu.memory_space<hbm>> -> memref<1x16x1024xf32, #tpu.memory_space<hbm>>
    %dma_start3A_42 = tpu.memref_squeeze %dma_start3A_41 : memref<1x16x1024xf32, #tpu.memory_space<hbm>> -> memref<16x1024xf32, #tpu.memory_space<hbm>>
    %dma_start3A_43 = arith.constant 0 : i32
    %dma_start3A_44 = tpu.memref_slice %arg3[%dma_start3A_39, %add3A_38, %dma_start3A_43] : memref<4x8192x1024xf32, #tpu.memory_space<hbm>> -> memref<1x16x1024xf32, #tpu.memory_space<hbm>>
    %dma_start3A_45 = tpu.memref_squeeze %dma_start3A_44 : memref<1x16x1024xf32, #tpu.memory_space<hbm>> -> memref<16x1024xf32, #tpu.memory_space<hbm>>
    tpu.enqueue_dma source(%arg5 : memref<16x1024xf32, #tpu.memory_space<vmem>>) target(%dma_start3A_45 : memref<16x1024xf32, #tpu.memory_space<hbm>>) target_semaphore(%arg9 : memref<!tpu.dma_semaphore, #tpu.memory_space<semaphore_mem>>)
    %add3A_46 = arith.constant 0 : i32
    %add3A_47 = arith.addi %add3A_4, %add3A_46 : i32
    %dma_start3A_48 = arith.constant 3 : i32
    %dma_start3A_49 = arith.constant 0 : i32
    %dma_start3A_50 = tpu.memref_slice %arg3[%dma_start3A_48, %add3A_47, %dma_start3A_49] : memref<4x8192x1024xf32, #tpu.memory_space<hbm>> -> memref<1x16x1024xf32, #tpu.memory_space<hbm>>
    %dma_start3A_51 = tpu.memref_squeeze %dma_start3A_50 : memref<1x16x1024xf32, #tpu.memory_space<hbm>> -> memref<16x1024xf32, #tpu.memory_space<hbm>>
    %dma_start3A_52 = arith.constant 0 : i32
    %dma_start3A_53 = tpu.memref_slice %arg3[%dma_start3A_48, %add3A_47, %dma_start3A_52] : memref<4x8192x1024xf32, #tpu.memory_space<hbm>> -> memref<1x16x1024xf32, #tpu.memory_space<hbm>>
    %dma_start3A_54 = tpu.memref_squeeze %dma_start3A_53 : memref<1x16x1024xf32, #tpu.memory_space<hbm>> -> memref<16x1024xf32, #tpu.memory_space<hbm>>
    tpu.enqueue_dma source(%arg5 : memref<16x1024xf32, #tpu.memory_space<vmem>>) target(%dma_start3A_54 : memref<16x1024xf32, #tpu.memory_space<hbm>>) target_semaphore(%arg9 : memref<!tpu.dma_semaphore, #tpu.memory_space<semaphore_mem>>)
    %dma_wait3A_55 = arith.constant 0 : i32
    %dma_wait3A_56 = tpu.memref_slice %arg2[%add3A_11, %dma_wait3A_55] : memref<8192x1024xf32, #tpu.memory_space<hbm>> -> memref<16x1024xf32, #tpu.memory_space<hbm>>
    %dma_wait3A_57 = arith.constant 0 : i32
    %dma_wait3A_58 = tpu.memref_slice %arg2[%add3A_11, %dma_wait3A_57] : memref<8192x1024xf32, #tpu.memory_space<hbm>> -> memref<16x1024xf32, #tpu.memory_space<hbm>>
    tpu.wait_dma2 semaphore(%arg8 : memref<!tpu.dma_semaphore, #tpu.memory_space<semaphore_mem>>) src(%dma_wait3A_58 : memref<16x1024xf32, #tpu.memory_space<hbm>>) dst(%arg6 : memref<16x1024xf32, #tpu.memory_space<vmem>>)
    %add3A_59 = arith.constant 16 : i32
    %add3A_60 = arith.addi %add3A_4, %add3A_59 : i32
    %dma_start3A_61 = arith.constant 0 : i32
    %dma_start3A_62 = arith.constant 0 : i32
    %dma_start3A_63 = tpu.memref_slice %arg3[%dma_start3A_61, %add3A_60, %dma_start3A_62] : memref<4x8192x1024xf32, #tpu.memory_space<hbm>> -> memref<1x16x1024xf32, #tpu.memory_space<hbm>>
    %dma_start3A_64 = tpu.memref_squeeze %dma_start3A_63 : memref<1x16x1024xf32, #tpu.memory_space<hbm>> -> memref<16x1024xf32, #tpu.memory_space<hbm>>
    %dma_start3A_65 = arith.constant 0 : i32
    %dma_start3A_66 = tpu.memref_slice %arg3[%dma_start3A_61, %add3A_60, %dma_start3A_65] : memref<4x8192x1024xf32, #tpu.memory_space<hbm>> -> memref<1x16x1024xf32, #tpu.memory_space<hbm>>
    %dma_start3A_67 = tpu.memref_squeeze %dma_start3A_66 : memref<1x16x1024xf32, #tpu.memory_space<hbm>> -> memref<16x1024xf32, #tpu.memory_space<hbm>>
    tpu.enqueue_dma source(%arg6 : memref<16x1024xf32, #tpu.memory_space<vmem>>) target(%dma_start3A_67 : memref<16x1024xf32, #tpu.memory_space<hbm>>) target_semaphore(%arg9 : memref<!tpu.dma_semaphore, #tpu.memory_space<semaphore_mem>>)
    %add3A_68 = arith.constant 16 : i32
    %add3A_69 = arith.addi %add3A_4, %add3A_68 : i32
    %dma_start3A_70 = arith.constant 1 : i32
    %dma_start3A_71 = arith.constant 0 : i32
    %dma_start3A_72 = tpu.memref_slice %arg3[%dma_start3A_70, %add3A_69, %dma_start3A_71] : memref<4x8192x1024xf32, #tpu.memory_space<hbm>> -> memref<1x16x1024xf32, #tpu.memory_space<hbm>>
    %dma_start3A_73 = tpu.memref_squeeze %dma_start3A_72 : memref<1x16x1024xf32, #tpu.memory_space<hbm>> -> memref<16x1024xf32, #tpu.memory_space<hbm>>
    %dma_start3A_74 = arith.constant 0 : i32
    %dma_start3A_75 = tpu.memref_slice %arg3[%dma_start3A_70, %add3A_69, %dma_start3A_74] : memref<4x8192x1024xf32, #tpu.memory_space<hbm>> -> memref<1x16x1024xf32, #tpu.memory_space<hbm>>
    %dma_start3A_76 = tpu.memref_squeeze %dma_start3A_75 : memref<1x16x1024xf32, #tpu.memory_space<hbm>> -> memref<16x1024xf32, #tpu.memory_space<hbm>>
    tpu.enqueue_dma source(%arg6 : memref<16x1024xf32, #tpu.memory_space<vmem>>) target(%dma_start3A_76 : memref<16x1024xf32, #tpu.memory_space<hbm>>) target_semaphore(%arg9 : memref<!tpu.dma_semaphore, #tpu.memory_space<semaphore_mem>>)
    %add3A_77 = arith.constant 16 : i32
    %add3A_78 = arith.addi %add3A_4, %add3A_77 : i32
    %dma_start3A_79 = arith.constant 2 : i32
    %dma_start3A_80 = arith.constant 0 : i32
    %dma_start3A_81 = tpu.memref_slice %arg3[%dma_start3A_79, %add3A_78, %dma_start3A_80] : memref<4x8192x1024xf32, #tpu.memory_space<hbm>> -> memref<1x16x1024xf32, #tpu.memory_space<hbm>>
    %dma_start3A_82 = tpu.memref_squeeze %dma_start3A_81 : memref<1x16x1024xf32, #tpu.memory_space<hbm>> -> memref<16x1024xf32, #tpu.memory_space<hbm>>
    %dma_start3A_83 = arith.constant 0 : i32
    %dma_start3A_84 = tpu.memref_slice %arg3[%dma_start3A_79, %add3A_78, %dma_start3A_83] : memref<4x8192x1024xf32, #tpu.memory_space<hbm>> -> memref<1x16x1024xf32, #tpu.memory_space<hbm>>
    %dma_start3A_85 = tpu.memref_squeeze %dma_start3A_84 : memref<1x16x1024xf32, #tpu.memory_space<hbm>> -> memref<16x1024xf32, #tpu.memory_space<hbm>>
    tpu.enqueue_dma source(%arg6 : memref<16x1024xf32, #tpu.memory_space<vmem>>) target(%dma_start3A_85 : memref<16x1024xf32, #tpu.memory_space<hbm>>) target_semaphore(%arg9 : memref<!tpu.dma_semaphore, #tpu.memory_space<semaphore_mem>>)
    %add3A_86 = arith.constant 16 : i32
    %add3A_87 = arith.addi %add3A_4, %add3A_86 : i32
    %dma_start3A_88 = arith.constant 3 : i32
    %dma_start3A_89 = arith.constant 0 : i32
    %dma_start3A_90 = tpu.memref_slice %arg3[%dma_start3A_88, %add3A_87, %dma_start3A_89] : memref<4x8192x1024xf32, #tpu.memory_space<hbm>> -> memref<1x16x1024xf32, #tpu.memory_space<hbm>>
    %dma_start3A_91 = tpu.memref_squeeze %dma_start3A_90 : memref<1x16x1024xf32, #tpu.memory_space<hbm>> -> memref<16x1024xf32, #tpu.memory_space<hbm>>
    %dma_start3A_92 = arith.constant 0 : i32
    %dma_start3A_93 = tpu.memref_slice %arg3[%dma_start3A_88, %add3A_87, %dma_start3A_92] : memref<4x8192x1024xf32, #tpu.memory_space<hbm>> -> memref<1x16x1024xf32, #tpu.memory_space<hbm>>
    %dma_start3A_94 = tpu.memref_squeeze %dma_start3A_93 : memref<1x16x1024xf32, #tpu.memory_space<hbm>> -> memref<16x1024xf32, #tpu.memory_space<hbm>>
    tpu.enqueue_dma source(%arg6 : memref<16x1024xf32, #tpu.memory_space<vmem>>) target(%dma_start3A_94 : memref<16x1024xf32, #tpu.memory_space<hbm>>) target_semaphore(%arg9 : memref<!tpu.dma_semaphore, #tpu.memory_space<semaphore_mem>>)
    %dma_wait3A_95 = arith.constant 0 : i32
    %dma_wait3A_96 = arith.constant 0 : i32
    %dma_wait3A_97 = tpu.memref_slice %arg3[%dma_wait3A_95, %add3A_20, %dma_wait3A_96] : memref<4x8192x1024xf32, #tpu.memory_space<hbm>> -> memref<1x16x1024xf32, #tpu.memory_space<hbm>>
    %dma_wait3A_98 = tpu.memref_squeeze %dma_wait3A_97 : memref<1x16x1024xf32, #tpu.memory_space<hbm>> -> memref<16x1024xf32, #tpu.memory_space<hbm>>
    %dma_wait3A_99 = arith.constant 0 : i32
    %dma_wait3A_100 = tpu.memref_slice %arg3[%dma_wait3A_95, %add3A_20, %dma_wait3A_99] : memref<4x8192x1024xf32, #tpu.memory_space<hbm>> -> memref<1x16x1024xf32, #tpu.memory_space<hbm>>
    %dma_wait3A_101 = tpu.memref_squeeze %dma_wait3A_100 : memref<1x16x1024xf32, #tpu.memory_space<hbm>> -> memref<16x1024xf32, #tpu.memory_space<hbm>>
    tpu.wait_dma2 semaphore(%arg9 : memref<!tpu.dma_semaphore, #tpu.memory_space<semaphore_mem>>) src(%arg5 : memref<16x1024xf32, #tpu.memory_space<vmem>>) dst(%dma_wait3A_101 : memref<16x1024xf32, #tpu.memory_space<hbm>>)
    %dma_wait3A_102 = arith.constant 1 : i32
    %dma_wait3A_103 = arith.constant 0 : i32
    %dma_wait3A_104 = tpu.memref_slice %arg3[%dma_wait3A_102, %add3A_29, %dma_wait3A_103] : memref<4x8192x1024xf32, #tpu.memory_space<hbm>> -> memref<1x16x1024xf32, #tpu.memory_space<hbm>>
    %dma_wait3A_105 = tpu.memref_squeeze %dma_wait3A_104 : memref<1x16x1024xf32, #tpu.memory_space<hbm>> -> memref<16x1024xf32, #tpu.memory_space<hbm>>
    %dma_wait3A_106 = arith.constant 0 : i32
    %dma_wait3A_107 = tpu.memref_slice %arg3[%dma_wait3A_102, %add3A_29, %dma_wait3A_106] : memref<4x8192x1024xf32, #tpu.memory_space<hbm>> -> memref<1x16x1024xf32, #tpu.memory_space<hbm>>
    %dma_wait3A_108 = tpu.memref_squeeze %dma_wait3A_107 : memref<1x16x1024xf32, #tpu.memory_space<hbm>> -> memref<16x1024xf32, #tpu.memory_space<hbm>>
    tpu.wait_dma2 semaphore(%arg9 : memref<!tpu.dma_semaphore, #tpu.memory_space<semaphore_mem>>) src(%arg5 : memref<16x1024xf32, #tpu.memory_space<vmem>>) dst(%dma_wait3A_108 : memref<16x1024xf32, #tpu.memory_space<hbm>>)
    %dma_wait3A_109 = arith.constant 2 : i32
    %dma_wait3A_110 = arith.constant 0 : i32
    %dma_wait3A_111 = tpu.memref_slice %arg3[%dma_wait3A_109, %add3A_38, %dma_wait3A_110] : memref<4x8192x1024xf32, #tpu.memory_space<hbm>> -> memref<1x16x1024xf32, #tpu.memory_space<hbm>>
    %dma_wait3A_112 = tpu.memref_squeeze %dma_wait3A_111 : memref<1x16x1024xf32, #tpu.memory_space<hbm>> -> memref<16x1024xf32, #tpu.memory_space<hbm>>
    %dma_wait3A_113 = arith.constant 0 : i32
    %dma_wait3A_114 = tpu.memref_slice %arg3[%dma_wait3A_109, %add3A_38, %dma_wait3A_113] : memref<4x8192x1024xf32, #tpu.memory_space<hbm>> -> memref<1x16x1024xf32, #tpu.memory_space<hbm>>
    %dma_wait3A_115 = tpu.memref_squeeze %dma_wait3A_114 : memref<1x16x1024xf32, #tpu.memory_space<hbm>> -> memref<16x1024xf32, #tpu.memory_space<hbm>>
    tpu.wait_dma2 semaphore(%arg9 : memref<!tpu.dma_semaphore, #tpu.memory_space<semaphore_mem>>) src(%arg5 : memref<16x1024xf32, #tpu.memory_space<vmem>>) dst(%dma_wait3A_115 : memref<16x1024xf32, #tpu.memory_space<hbm>>)
    %dma_wait3A_116 = arith.constant 3 : i32
    %dma_wait3A_117 = arith.constant 0 : i32
    %dma_wait3A_118 = tpu.memref_slice %arg3[%dma_wait3A_116, %add3A_47, %dma_wait3A_117] : memref<4x8192x1024xf32, #tpu.memory_space<hbm>> -> memref<1x16x1024xf32, #tpu.memory_space<hbm>>
    %dma_wait3A_119 = tpu.memref_squeeze %dma_wait3A_118 : memref<1x16x1024xf32, #tpu.memory_space<hbm>> -> memref<16x1024xf32, #tpu.memory_space<hbm>>
    %dma_wait3A_120 = arith.constant 0 : i32
    %dma_wait3A_121 = tpu.memref_slice %arg3[%dma_wait3A_116, %add3A_47, %dma_wait3A_120] : memref<4x8192x1024xf32, #tpu.memory_space<hbm>> -> memref<1x16x1024xf32, #tpu.memory_space<hbm>>
    %dma_wait3A_122 = tpu.memref_squeeze %dma_wait3A_121 : memref<1x16x1024xf32, #tpu.memory_space<hbm>> -> memref<16x1024xf32, #tpu.memory_space<hbm>>
    tpu.wait_dma2 semaphore(%arg9 : memref<!tpu.dma_semaphore, #tpu.memory_space<semaphore_mem>>) src(%arg5 : memref<16x1024xf32, #tpu.memory_space<vmem>>) dst(%dma_wait3A_122 : memref<16x1024xf32, #tpu.memory_space<hbm>>)
    %dma_wait3A_123 = arith.constant 0 : i32
    %dma_wait3A_124 = arith.constant 0 : i32
    %dma_wait3A_125 = tpu.memref_slice %arg3[%dma_wait3A_123, %add3A_60, %dma_wait3A_124] : memref<4x8192x1024xf32, #tpu.memory_space<hbm>> -> memref<1x16x1024xf32, #tpu.memory_space<hbm>>
    %dma_wait3A_126 = tpu.memref_squeeze %dma_wait3A_125 : memref<1x16x1024xf32, #tpu.memory_space<hbm>> -> memref<16x1024xf32, #tpu.memory_space<hbm>>
    %dma_wait3A_127 = arith.constant 0 : i32
    %dma_wait3A_128 = tpu.memref_slice %arg3[%dma_wait3A_123, %add3A_60, %dma_wait3A_127] : memref<4x8192x1024xf32, #tpu.memory_space<hbm>> -> memref<1x16x1024xf32, #tpu.memory_space<hbm>>
    %dma_wait3A_129 = tpu.memref_squeeze %dma_wait3A_128 : memref<1x16x1024xf32, #tpu.memory_space<hbm>> -> memref<16x1024xf32, #tpu.memory_space<hbm>>
    tpu.wait_dma2 semaphore(%arg9 : memref<!tpu.dma_semaphore, #tpu.memory_space<semaphore_mem>>) src(%arg6 : memref<16x1024xf32, #tpu.memory_space<vmem>>) dst(%dma_wait3A_129 : memref<16x1024xf32, #tpu.memory_space<hbm>>)
    %dma_wait3A_130 = arith.constant 1 : i32
    %dma_wait3A_131 = arith.constant 0 : i32
    %dma_wait3A_132 = tpu.memref_slice %arg3[%dma_wait3A_130, %add3A_69, %dma_wait3A_131] : memref<4x8192x1024xf32, #tpu.memory_space<hbm>> -> memref<1x16x1024xf32, #tpu.memory_space<hbm>>
    %dma_wait3A_133 = tpu.memref_squeeze %dma_wait3A_132 : memref<1x16x1024xf32, #tpu.memory_space<hbm>> -> memref<16x1024xf32, #tpu.memory_space<hbm>>
    %dma_wait3A_134 = arith.constant 0 : i32
    %dma_wait3A_135 = tpu.memref_slice %arg3[%dma_wait3A_130, %add3A_69, %dma_wait3A_134] : memref<4x8192x1024xf32, #tpu.memory_space<hbm>> -> memref<1x16x1024xf32, #tpu.memory_space<hbm>>
    %dma_wait3A_136 = tpu.memref_squeeze %dma_wait3A_135 : memref<1x16x1024xf32, #tpu.memory_space<hbm>> -> memref<16x1024xf32, #tpu.memory_space<hbm>>
    tpu.wait_dma2 semaphore(%arg9 : memref<!tpu.dma_semaphore, #tpu.memory_space<semaphore_mem>>) src(%arg6 : memref<16x1024xf32, #tpu.memory_space<vmem>>) dst(%dma_wait3A_136 : memref<16x1024xf32, #tpu.memory_space<hbm>>)
    %dma_wait3A_137 = arith.constant 2 : i32
    %dma_wait3A_138 = arith.constant 0 : i32
    %dma_wait3A_139 = tpu.memref_slice %arg3[%dma_wait3A_137, %add3A_78, %dma_wait3A_138] : memref<4x8192x1024xf32, #tpu.memory_space<hbm>> -> memref<1x16x1024xf32, #tpu.memory_space<hbm>>
    %dma_wait3A_140 = tpu.memref_squeeze %dma_wait3A_139 : memref<1x16x1024xf32, #tpu.memory_space<hbm>> -> memref<16x1024xf32, #tpu.memory_space<hbm>>
    %dma_wait3A_141 = arith.constant 0 : i32
    %dma_wait3A_142 = tpu.memref_slice %arg3[%dma_wait3A_137, %add3A_78, %dma_wait3A_141] : memref<4x8192x1024xf32, #tpu.memory_space<hbm>> -> memref<1x16x1024xf32, #tpu.memory_space<hbm>>
    %dma_wait3A_143 = tpu.memref_squeeze %dma_wait3A_142 : memref<1x16x1024xf32, #tpu.memory_space<hbm>> -> memref<16x1024xf32, #tpu.memory_space<hbm>>
    tpu.wait_dma2 semaphore(%arg9 : memref<!tpu.dma_semaphore, #tpu.memory_space<semaphore_mem>>) src(%arg6 : memref<16x1024xf32, #tpu.memory_space<vmem>>) dst(%dma_wait3A_143 : memref<16x1024xf32, #tpu.memory_space<hbm>>)
    %dma_wait3A_144 = arith.constant 3 : i32
    %dma_wait3A_145 = arith.constant 0 : i32
    %dma_wait3A_146 = tpu.memref_slice %arg3[%dma_wait3A_144, %add3A_87, %dma_wait3A_145] : memref<4x8192x1024xf32, #tpu.memory_space<hbm>> -> memref<1x16x1024xf32, #tpu.memory_space<hbm>>
    %dma_wait3A_147 = tpu.memref_squeeze %dma_wait3A_146 : memref<1x16x1024xf32, #tpu.memory_space<hbm>> -> memref<16x1024xf32, #tpu.memory_space<hbm>>
    %dma_wait3A_148 = arith.constant 0 : i32
    %dma_wait3A_149 = tpu.memref_slice %arg3[%dma_wait3A_144, %add3A_87, %dma_wait3A_148] : memref<4x8192x1024xf32, #tpu.memory_space<hbm>> -> memref<1x16x1024xf32, #tpu.memory_space<hbm>>
    %dma_wait3A_150 = tpu.memref_squeeze %dma_wait3A_149 : memref<1x16x1024xf32, #tpu.memory_space<hbm>> -> memref<16x1024xf32, #tpu.memory_space<hbm>>
    tpu.wait_dma2 semaphore(%arg9 : memref<!tpu.dma_semaphore, #tpu.memory_space<semaphore_mem>>) src(%arg6 : memref<16x1024xf32, #tpu.memory_space<vmem>>) dst(%dma_wait3A_150 : memref<16x1024xf32, #tpu.memory_space<hbm>>)
    return
  }
}

module attributes {stable_mosaic.version = 14 : i64} {
  func.func @_finish_body(%arg0: memref<4x8192x1024xf32, #tpu.memory_space<any>>, %arg1: memref<16xf32, #tpu.memory_space<any>>, %arg2: memref<8x128xf32, #tpu.memory_space<vmem>>, %arg3: memref<4x8192x1024xf32, #tpu.memory_space<any>>) attributes {dimension_semantics = [], scalar_prefetch = 0 : i64, scratch_operands = 0 : i64, tpu.core_type = #tpu.core_type<tc>} {
    return
  }
}

module attributes {stable_mosaic.version = 14 : i64} {
  func.func @_tc_head_writer_body(%arg0: memref<8192x1024xf32, #tpu.memory_space<any>>, %arg1: memref<4x8192x1024xf32, #tpu.memory_space<any>>, %arg2: memref<8x128xf32, #tpu.memory_space<vmem>>, %arg3: memref<512x1024xf32, #tpu.memory_space<vmem>>, %arg4: memref<512x1024xf32, #tpu.memory_space<vmem>>, %arg5: memref<512x1024xf32, #tpu.memory_space<vmem>>, %arg6: memref<512x1024xf32, #tpu.memory_space<vmem>>, %arg7: memref<512x1024xf32, #tpu.memory_space<vmem>>, %arg8: memref<512x1024xf32, #tpu.memory_space<vmem>>, %arg9: memref<512x1024xf32, #tpu.memory_space<vmem>>, %arg10: memref<512x1024xf32, #tpu.memory_space<vmem>>, %arg11: memref<512x1024xf32, #tpu.memory_space<vmem>>, %arg12: memref<512x1024xf32, #tpu.memory_space<vmem>>, %arg13: memref<512x1024xf32, #tpu.memory_space<vmem>>, %arg14: memref<512x1024xf32, #tpu.memory_space<vmem>>, %arg15: memref<512x1024xf32, #tpu.memory_space<vmem>>, %arg16: memref<512x1024xf32, #tpu.memory_space<vmem>>, %arg17: memref<!tpu.dma_semaphore, #tpu.memory_space<semaphore_mem>>, %arg18: memref<!tpu.dma_semaphore, #tpu.memory_space<semaphore_mem>>, %arg19: memref<!tpu.dma_semaphore, #tpu.memory_space<semaphore_mem>>, %arg20: memref<!tpu.dma_semaphore, #tpu.memory_space<semaphore_mem>>, %arg21: memref<!tpu.dma_semaphore, #tpu.memory_space<semaphore_mem>>, %arg22: memref<!tpu.dma_semaphore, #tpu.memory_space<semaphore_mem>>, %arg23: memref<!tpu.dma_semaphore, #tpu.memory_space<semaphore_mem>>, %arg24: memref<!tpu.dma_semaphore, #tpu.memory_space<semaphore_mem>>, %arg25: memref<!tpu.dma_semaphore, #tpu.memory_space<semaphore_mem>>, %arg26: memref<!tpu.dma_semaphore, #tpu.memory_space<semaphore_mem>>, %arg27: memref<!tpu.dma_semaphore, #tpu.memory_space<semaphore_mem>>, %arg28: memref<!tpu.dma_semaphore, #tpu.memory_space<semaphore_mem>>, %arg29: memref<!tpu.dma_semaphore, #tpu.memory_space<semaphore_mem>>, %arg30: memref<!tpu.dma_semaphore, #tpu.memory_space<semaphore_mem>>, %arg31: memref<!tpu.dma_semaphore, #tpu.memory_space<semaphore_mem>>) attributes {dimension_semantics = [], scalar_prefetch = 0 : i64, scratch_operands = 29 : i64, tpu.core_type = #tpu.core_type<tc>} {
    %broadcast_in_dim3A = arith.constant 0.000000e+00 : f32
    %broadcast_in_dim3A_0 = vector.broadcast %broadcast_in_dim3A : f32 to vector<8x128xf32>
    %swap3A = arith.constant 0 : index
    %swap3A_1 = arith.constant 0 : index
    %swap3A_2 = vector.load %arg2[%swap3A, %swap3A_1] : memref<8x128xf32, #tpu.memory_space<vmem>>, vector<8x128xf32>
    tpu.vector_store %arg2[%swap3A, %swap3A_1], %broadcast_in_dim3A_0 {strides = array<i32>} : memref<8x128xf32, #tpu.memory_space<vmem>>, vector<8x128xf32>,
    %dma_start3A = arith.constant 0 : i32
    %dma_start3A_3 = arith.constant 0 : i32
    %dma_start3A_4 = tpu.memref_slice %arg0[%dma_start3A, %dma_start3A_3] : memref<8192x1024xf32, #tpu.memory_space<any>> -> memref<512x1024xf32, #tpu.memory_space<any>>
    tpu.enqueue_dma source(%dma_start3A_4 : memref<512x1024xf32, #tpu.memory_space<any>>) target(%arg3 : memref<512x1024xf32, #tpu.memory_space<vmem>>) target_semaphore(%arg17 : memref<!tpu.dma_semaphore, #tpu.memory_space<semaphore_mem>>)
    %dma_start3A_5 = arith.constant 512 : i32
    %dma_start3A_6 = arith.constant 0 : i32
    %dma_start3A_7 = tpu.memref_slice %arg0[%dma_start3A_5, %dma_start3A_6] : memref<8192x1024xf32, #tpu.memory_space<any>> -> memref<512x1024xf32, #tpu.memory_space<any>>
    tpu.enqueue_dma source(%dma_start3A_7 : memref<512x1024xf32, #tpu.memory_space<any>>) target(%arg4 : memref<512x1024xf32, #tpu.memory_space<vmem>>) target_semaphore(%arg18 : memref<!tpu.dma_semaphore, #tpu.memory_space<semaphore_mem>>)
    %dma_start3A_8 = arith.constant 1024 : i32
    %dma_start3A_9 = arith.constant 0 : i32
    %dma_start3A_10 = tpu.memref_slice %arg0[%dma_start3A_8, %dma_start3A_9] : memref<8192x1024xf32, #tpu.memory_space<any>> -> memref<512x1024xf32, #tpu.memory_space<any>>
    tpu.enqueue_dma source(%dma_start3A_10 : memref<512x1024xf32, #tpu.memory_space<any>>) target(%arg5 : memref<512x1024xf32, #tpu.memory_space<vmem>>) target_semaphore(%arg19 : memref<!tpu.dma_semaphore, #tpu.memory_space<semaphore_mem>>)
    %dma_start3A_11 = arith.constant 1536 : i32
    %dma_start3A_12 = arith.constant 0 : i32
    %dma_start3A_13 = tpu.memref_slice %arg0[%dma_start3A_11, %dma_start3A_12] : memref<8192x1024xf32, #tpu.memory_space<any>> -> memref<512x1024xf32, #tpu.memory_space<any>>
    tpu.enqueue_dma source(%dma_start3A_13 : memref<512x1024xf32, #tpu.memory_space<any>>) target(%arg6 : memref<512x1024xf32, #tpu.memory_space<vmem>>) target_semaphore(%arg20 : memref<!tpu.dma_semaphore, #tpu.memory_space<semaphore_mem>>)
    %dma_start3A_14 = arith.constant 2048 : i32
    %dma_start3A_15 = arith.constant 0 : i32
    %dma_start3A_16 = tpu.memref_slice %arg0[%dma_start3A_14, %dma_start3A_15] : memref<8192x1024xf32, #tpu.memory_space<any>> -> memref<512x1024xf32, #tpu.memory_space<any>>
    tpu.enqueue_dma source(%dma_start3A_16 : memref<512x1024xf32, #tpu.memory_space<any>>) target(%arg7 : memref<512x1024xf32, #tpu.memory_space<vmem>>) target_semaphore(%arg21 : memref<!tpu.dma_semaphore, #tpu.memory_space<semaphore_mem>>)
    %dma_start3A_17 = arith.constant 2560 : i32
    %dma_start3A_18 = arith.constant 0 : i32
    %dma_start3A_19 = tpu.memref_slice %arg0[%dma_start3A_17, %dma_start3A_18] : memref<8192x1024xf32, #tpu.memory_space<any>> -> memref<512x1024xf32, #tpu.memory_space<any>>
    tpu.enqueue_dma source(%dma_start3A_19 : memref<512x1024xf32, #tpu.memory_space<any>>) target(%arg8 : memref<512x1024xf32, #tpu.memory_space<vmem>>) target_semaphore(%arg22 : memref<!tpu.dma_semaphore, #tpu.memory_space<semaphore_mem>>)
    %dma_start3A_20 = arith.constant 3072 : i32
    %dma_start3A_21 = arith.constant 0 : i32
    %dma_start3A_22 = tpu.memref_slice %arg0[%dma_start3A_20, %dma_start3A_21] : memref<8192x1024xf32, #tpu.memory_space<any>> -> memref<512x1024xf32, #tpu.memory_space<any>>
    tpu.enqueue_dma source(%dma_start3A_22 : memref<512x1024xf32, #tpu.memory_space<any>>) target(%arg9 : memref<512x1024xf32, #tpu.memory_space<vmem>>) target_semaphore(%arg23 : memref<!tpu.dma_semaphore, #tpu.memory_space<semaphore_mem>>)
    %dma_start3A_23 = arith.constant 3584 : i32
    %dma_start3A_24 = arith.constant 0 : i32
    %dma_start3A_25 = tpu.memref_slice %arg0[%dma_start3A_23, %dma_start3A_24] : memref<8192x1024xf32, #tpu.memory_space<any>> -> memref<512x1024xf32, #tpu.memory_space<any>>
    tpu.enqueue_dma source(%dma_start3A_25 : memref<512x1024xf32, #tpu.memory_space<any>>) target(%arg10 : memref<512x1024xf32, #tpu.memory_space<vmem>>) target_semaphore(%arg24 : memref<!tpu.dma_semaphore, #tpu.memory_space<semaphore_mem>>)
    %dma_start3A_26 = arith.constant 4096 : i32
    %dma_start3A_27 = arith.constant 0 : i32
    %dma_start3A_28 = tpu.memref_slice %arg0[%dma_start3A_26, %dma_start3A_27] : memref<8192x1024xf32, #tpu.memory_space<any>> -> memref<512x1024xf32, #tpu.memory_space<any>>
    tpu.enqueue_dma source(%dma_start3A_28 : memref<512x1024xf32, #tpu.memory_space<any>>) target(%arg11 : memref<512x1024xf32, #tpu.memory_space<vmem>>) target_semaphore(%arg25 : memref<!tpu.dma_semaphore, #tpu.memory_space<semaphore_mem>>)
    %dma_start3A_29 = arith.constant 4608 : i32
    %dma_start3A_30 = arith.constant 0 : i32
    %dma_start3A_31 = tpu.memref_slice %arg0[%dma_start3A_29, %dma_start3A_30] : memref<8192x1024xf32, #tpu.memory_space<any>> -> memref<512x1024xf32, #tpu.memory_space<any>>
    tpu.enqueue_dma source(%dma_start3A_31 : memref<512x1024xf32, #tpu.memory_space<any>>) target(%arg12 : memref<512x1024xf32, #tpu.memory_space<vmem>>) target_semaphore(%arg26 : memref<!tpu.dma_semaphore, #tpu.memory_space<semaphore_mem>>)
    %dma_start3A_32 = arith.constant 5120 : i32
    %dma_start3A_33 = arith.constant 0 : i32
    %dma_start3A_34 = tpu.memref_slice %arg0[%dma_start3A_32, %dma_start3A_33] : memref<8192x1024xf32, #tpu.memory_space<any>> -> memref<512x1024xf32, #tpu.memory_space<any>>
    tpu.enqueue_dma source(%dma_start3A_34 : memref<512x1024xf32, #tpu.memory_space<any>>) target(%arg13 : memref<512x1024xf32, #tpu.memory_space<vmem>>) target_semaphore(%arg27 : memref<!tpu.dma_semaphore, #tpu.memory_space<semaphore_mem>>)
    %dma_start3A_35 = arith.constant 5632 : i32
    %dma_start3A_36 = arith.constant 0 : i32
    %dma_start3A_37 = tpu.memref_slice %arg0[%dma_start3A_35, %dma_start3A_36] : memref<8192x1024xf32, #tpu.memory_space<any>> -> memref<512x1024xf32, #tpu.memory_space<any>>
    tpu.enqueue_dma source(%dma_start3A_37 : memref<512x1024xf32, #tpu.memory_space<any>>) target(%arg14 : memref<512x1024xf32, #tpu.memory_space<vmem>>) target_semaphore(%arg28 : memref<!tpu.dma_semaphore, #tpu.memory_space<semaphore_mem>>)
    %dma_start3A_38 = arith.constant 6144 : i32
    %dma_start3A_39 = arith.constant 0 : i32
    %dma_start3A_40 = tpu.memref_slice %arg0[%dma_start3A_38, %dma_start3A_39] : memref<8192x1024xf32, #tpu.memory_space<any>> -> memref<512x1024xf32, #tpu.memory_space<any>>
    tpu.enqueue_dma source(%dma_start3A_40 : memref<512x1024xf32, #tpu.memory_space<any>>) target(%arg15 : memref<512x1024xf32, #tpu.memory_space<vmem>>) target_semaphore(%arg29 : memref<!tpu.dma_semaphore, #tpu.memory_space<semaphore_mem>>)
    %dma_start3A_41 = arith.constant 6656 : i32
    %dma_start3A_42 = arith.constant 0 : i32
    %dma_start3A_43 = tpu.memref_slice %arg0[%dma_start3A_41, %dma_start3A_42] : memref<8192x1024xf32, #tpu.memory_space<any>> -> memref<512x1024xf32, #tpu.memory_space<any>>
    tpu.enqueue_dma source(%dma_start3A_43 : memref<512x1024xf32, #tpu.memory_space<any>>) target(%arg16 : memref<512x1024xf32, #tpu.memory_space<vmem>>) target_semaphore(%arg30 : memref<!tpu.dma_semaphore, #tpu.memory_space<semaphore_mem>>)
    %dma_wait3A = arith.constant 0 : i32
    %dma_wait3A_44 = arith.constant 0 : i32
    %dma_wait3A_45 = tpu.memref_slice %arg0[%dma_wait3A, %dma_wait3A_44] : memref<8192x1024xf32, #tpu.memory_space<any>> -> memref<512x1024xf32, #tpu.memory_space<any>>
    tpu.wait_dma2 semaphore(%arg17 : memref<!tpu.dma_semaphore, #tpu.memory_space<semaphore_mem>>) src(%dma_wait3A_45 : memref<512x1024xf32, #tpu.memory_space<any>>) dst(%arg3 : memref<512x1024xf32, #tpu.memory_space<vmem>>)
    %dma_start3A_46 = arith.constant 0 : i32
    %dma_start3A_47 = arith.constant 0 : i32
    %dma_start3A_48 = arith.constant 0 : i32
    %dma_start3A_49 = tpu.memref_slice %arg1[%dma_start3A_46, %dma_start3A_47, %dma_start3A_48] : memref<4x8192x1024xf32, #tpu.memory_space<any>> -> memref<1x512x1024xf32, #tpu.memory_space<any>>
    %dma_start3A_50 = tpu.memref_squeeze %dma_start3A_49 : memref<1x512x1024xf32, #tpu.memory_space<any>> -> memref<512x1024xf32, #tpu.memory_space<any>>
    tpu.enqueue_dma source(%arg3 : memref<512x1024xf32, #tpu.memory_space<vmem>>) target(%dma_start3A_50 : memref<512x1024xf32, #tpu.memory_space<any>>) target_semaphore(%arg31 : memref<!tpu.dma_semaphore, #tpu.memory_space<semaphore_mem>>)
    %dma_start3A_51 = arith.constant 1 : i32
    %dma_start3A_52 = arith.constant 0 : i32
    %dma_start3A_53 = arith.constant 0 : i32
    %dma_start3A_54 = tpu.memref_slice %arg1[%dma_start3A_51, %dma_start3A_52, %dma_start3A_53] : memref<4x8192x1024xf32, #tpu.memory_space<any>> -> memref<1x512x1024xf32, #tpu.memory_space<any>>
    %dma_start3A_55 = tpu.memref_squeeze %dma_start3A_54 : memref<1x512x1024xf32, #tpu.memory_space<any>> -> memref<512x1024xf32, #tpu.memory_space<any>>
    tpu.enqueue_dma source(%arg3 : memref<512x1024xf32, #tpu.memory_space<vmem>>) target(%dma_start3A_55 : memref<512x1024xf32, #tpu.memory_space<any>>) target_semaphore(%arg31 : memref<!tpu.dma_semaphore, #tpu.memory_space<semaphore_mem>>)
    %dma_start3A_56 = arith.constant 2 : i32
    %dma_start3A_57 = arith.constant 0 : i32
    %dma_start3A_58 = arith.constant 0 : i32
    %dma_start3A_59 = tpu.memref_slice %arg1[%dma_start3A_56, %dma_start3A_57, %dma_start3A_58] : memref<4x8192x1024xf32, #tpu.memory_space<any>> -> memref<1x512x1024xf32, #tpu.memory_space<any>>
    %dma_start3A_60 = tpu.memref_squeeze %dma_start3A_59 : memref<1x512x1024xf32, #tpu.memory_space<any>> -> memref<512x1024xf32, #tpu.memory_space<any>>
    tpu.enqueue_dma source(%arg3 : memref<512x1024xf32, #tpu.memory_space<vmem>>) target(%dma_start3A_60 : memref<512x1024xf32, #tpu.memory_space<any>>) target_semaphore(%arg31 : memref<!tpu.dma_semaphore, #tpu.memory_space<semaphore_mem>>)
    %dma_start3A_61 = arith.constant 3 : i32
    %dma_start3A_62 = arith.constant 0 : i32
    %dma_start3A_63 = arith.constant 0 : i32
    %dma_start3A_64 = tpu.memref_slice %arg1[%dma_start3A_61, %dma_start3A_62, %dma_start3A_63] : memref<4x8192x1024xf32, #tpu.memory_space<any>> -> memref<1x512x1024xf32, #tpu.memory_space<any>>
    %dma_start3A_65 = tpu.memref_squeeze %dma_start3A_64 : memref<1x512x1024xf32, #tpu.memory_space<any>> -> memref<512x1024xf32, #tpu.memory_space<any>>
    tpu.enqueue_dma source(%arg3 : memref<512x1024xf32, #tpu.memory_space<vmem>>) target(%dma_start3A_65 : memref<512x1024xf32, #tpu.memory_space<any>>) target_semaphore(%arg31 : memref<!tpu.dma_semaphore, #tpu.memory_space<semaphore_mem>>)
    %dma_wait3A_66 = arith.constant 512 : i32
    %dma_wait3A_67 = arith.constant 0 : i32
    %dma_wait3A_68 = tpu.memref_slice %arg0[%dma_wait3A_66, %dma_wait3A_67] : memref<8192x1024xf32, #tpu.memory_space<any>> -> memref<512x1024xf32, #tpu.memory_space<any>>
    tpu.wait_dma2 semaphore(%arg18 : memref<!tpu.dma_semaphore, #tpu.memory_space<semaphore_mem>>) src(%dma_wait3A_68 : memref<512x1024xf32, #tpu.memory_space<any>>) dst(%arg4 : memref<512x1024xf32, #tpu.memory_space<vmem>>)
    %dma_start3A_69 = arith.constant 0 : i32
    %dma_start3A_70 = arith.constant 512 : i32
    %dma_start3A_71 = arith.constant 0 : i32
    %dma_start3A_72 = tpu.memref_slice %arg1[%dma_start3A_69, %dma_start3A_70, %dma_start3A_71] : memref<4x8192x1024xf32, #tpu.memory_space<any>> -> memref<1x512x1024xf32, #tpu.memory_space<any>>
    %dma_start3A_73 = tpu.memref_squeeze %dma_start3A_72 : memref<1x512x1024xf32, #tpu.memory_space<any>> -> memref<512x1024xf32, #tpu.memory_space<any>>
    tpu.enqueue_dma source(%arg4 : memref<512x1024xf32, #tpu.memory_space<vmem>>) target(%dma_start3A_73 : memref<512x1024xf32, #tpu.memory_space<any>>) target_semaphore(%arg31 : memref<!tpu.dma_semaphore, #tpu.memory_space<semaphore_mem>>)
    %dma_start3A_74 = arith.constant 1 : i32
    %dma_start3A_75 = arith.constant 512 : i32
    %dma_start3A_76 = arith.constant 0 : i32
    %dma_start3A_77 = tpu.memref_slice %arg1[%dma_start3A_74, %dma_start3A_75, %dma_start3A_76] : memref<4x8192x1024xf32, #tpu.memory_space<any>> -> memref<1x512x1024xf32, #tpu.memory_space<any>>
    %dma_start3A_78 = tpu.memref_squeeze %dma_start3A_77 : memref<1x512x1024xf32, #tpu.memory_space<any>> -> memref<512x1024xf32, #tpu.memory_space<any>>
    tpu.enqueue_dma source(%arg4 : memref<512x1024xf32, #tpu.memory_space<vmem>>) target(%dma_start3A_78 : memref<512x1024xf32, #tpu.memory_space<any>>) target_semaphore(%arg31 : memref<!tpu.dma_semaphore, #tpu.memory_space<semaphore_mem>>)
    %dma_start3A_79 = arith.constant 2 : i32
    %dma_start3A_80 = arith.constant 512 : i32
    %dma_start3A_81 = arith.constant 0 : i32
    %dma_start3A_82 = tpu.memref_slice %arg1[%dma_start3A_79, %dma_start3A_80, %dma_start3A_81] : memref<4x8192x1024xf32, #tpu.memory_space<any>> -> memref<1x512x1024xf32, #tpu.memory_space<any>>
    %dma_start3A_83 = tpu.memref_squeeze %dma_start3A_82 : memref<1x512x1024xf32, #tpu.memory_space<any>> -> memref<512x1024xf32, #tpu.memory_space<any>>
    tpu.enqueue_dma source(%arg4 : memref<512x1024xf32, #tpu.memory_space<vmem>>) target(%dma_start3A_83 : memref<512x1024xf32, #tpu.memory_space<any>>) target_semaphore(%arg31 : memref<!tpu.dma_semaphore, #tpu.memory_space<semaphore_mem>>)
    %dma_start3A_84 = arith.constant 3 : i32
    %dma_start3A_85 = arith.constant 512 : i32
    %dma_start3A_86 = arith.constant 0 : i32
    %dma_start3A_87 = tpu.memref_slice %arg1[%dma_start3A_84, %dma_start3A_85, %dma_start3A_86] : memref<4x8192x1024xf32, #tpu.memory_space<any>> -> memref<1x512x1024xf32, #tpu.memory_space<any>>
    %dma_start3A_88 = tpu.memref_squeeze %dma_start3A_87 : memref<1x512x1024xf32, #tpu.memory_space<any>> -> memref<512x1024xf32, #tpu.memory_space<any>>
    tpu.enqueue_dma source(%arg4 : memref<512x1024xf32, #tpu.memory_space<vmem>>) target(%dma_start3A_88 : memref<512x1024xf32, #tpu.memory_space<any>>) target_semaphore(%arg31 : memref<!tpu.dma_semaphore, #tpu.memory_space<semaphore_mem>>)
    %dma_wait3A_89 = arith.constant 1024 : i32
    %dma_wait3A_90 = arith.constant 0 : i32
    %dma_wait3A_91 = tpu.memref_slice %arg0[%dma_wait3A_89, %dma_wait3A_90] : memref<8192x1024xf32, #tpu.memory_space<any>> -> memref<512x1024xf32, #tpu.memory_space<any>>
    tpu.wait_dma2 semaphore(%arg19 : memref<!tpu.dma_semaphore, #tpu.memory_space<semaphore_mem>>) src(%dma_wait3A_91 : memref<512x1024xf32, #tpu.memory_space<any>>) dst(%arg5 : memref<512x1024xf32, #tpu.memory_space<vmem>>)
    %dma_start3A_92 = arith.constant 0 : i32
    %dma_start3A_93 = arith.constant 1024 : i32
    %dma_start3A_94 = arith.constant 0 : i32
    %dma_start3A_95 = tpu.memref_slice %arg1[%dma_start3A_92, %dma_start3A_93, %dma_start3A_94] : memref<4x8192x1024xf32, #tpu.memory_space<any>> -> memref<1x512x1024xf32, #tpu.memory_space<any>>
    %dma_start3A_96 = tpu.memref_squeeze %dma_start3A_95 : memref<1x512x1024xf32, #tpu.memory_space<any>> -> memref<512x1024xf32, #tpu.memory_space<any>>
    tpu.enqueue_dma source(%arg5 : memref<512x1024xf32, #tpu.memory_space<vmem>>) target(%dma_start3A_96 : memref<512x1024xf32, #tpu.memory_space<any>>) target_semaphore(%arg31 : memref<!tpu.dma_semaphore, #tpu.memory_space<semaphore_mem>>)
    %dma_start3A_97 = arith.constant 1 : i32
    %dma_start3A_98 = arith.constant 1024 : i32
    %dma_start3A_99 = arith.constant 0 : i32
    %dma_start3A_100 = tpu.memref_slice %arg1[%dma_start3A_97, %dma_start3A_98, %dma_start3A_99] : memref<4x8192x1024xf32, #tpu.memory_space<any>> -> memref<1x512x1024xf32, #tpu.memory_space<any>>
    %dma_start3A_101 = tpu.memref_squeeze %dma_start3A_100 : memref<1x512x1024xf32, #tpu.memory_space<any>> -> memref<512x1024xf32, #tpu.memory_space<any>>
    tpu.enqueue_dma source(%arg5 : memref<512x1024xf32, #tpu.memory_space<vmem>>) target(%dma_start3A_101 : memref<512x1024xf32, #tpu.memory_space<any>>) target_semaphore(%arg31 : memref<!tpu.dma_semaphore, #tpu.memory_space<semaphore_mem>>)
    %dma_start3A_102 = arith.constant 2 : i32
    %dma_start3A_103 = arith.constant 1024 : i32
    %dma_start3A_104 = arith.constant 0 : i32
    %dma_start3A_105 = tpu.memref_slice %arg1[%dma_start3A_102, %dma_start3A_103, %dma_start3A_104] : memref<4x8192x1024xf32, #tpu.memory_space<any>> -> memref<1x512x1024xf32, #tpu.memory_space<any>>
    %dma_start3A_106 = tpu.memref_squeeze %dma_start3A_105 : memref<1x512x1024xf32, #tpu.memory_space<any>> -> memref<512x1024xf32, #tpu.memory_space<any>>
    tpu.enqueue_dma source(%arg5 : memref<512x1024xf32, #tpu.memory_space<vmem>>) target(%dma_start3A_106 : memref<512x1024xf32, #tpu.memory_space<any>>) target_semaphore(%arg31 : memref<!tpu.dma_semaphore, #tpu.memory_space<semaphore_mem>>)
    %dma_start3A_107 = arith.constant 3 : i32
    %dma_start3A_108 = arith.constant 1024 : i32
    %dma_start3A_109 = arith.constant 0 : i32
    %dma_start3A_110 = tpu.memref_slice %arg1[%dma_start3A_107, %dma_start3A_108, %dma_start3A_109] : memref<4x8192x1024xf32, #tpu.memory_space<any>> -> memref<1x512x1024xf32, #tpu.memory_space<any>>
    %dma_start3A_111 = tpu.memref_squeeze %dma_start3A_110 : memref<1x512x1024xf32, #tpu.memory_space<any>> -> memref<512x1024xf32, #tpu.memory_space<any>>
    tpu.enqueue_dma source(%arg5 : memref<512x1024xf32, #tpu.memory_space<vmem>>) target(%dma_start3A_111 : memref<512x1024xf32, #tpu.memory_space<any>>) target_semaphore(%arg31 : memref<!tpu.dma_semaphore, #tpu.memory_space<semaphore_mem>>)
    %dma_wait3A_112 = arith.constant 1536 : i32
    %dma_wait3A_113 = arith.constant 0 : i32
    %dma_wait3A_114 = tpu.memref_slice %arg0[%dma_wait3A_112, %dma_wait3A_113] : memref<8192x1024xf32, #tpu.memory_space<any>> -> memref<512x1024xf32, #tpu.memory_space<any>>
    tpu.wait_dma2 semaphore(%arg20 : memref<!tpu.dma_semaphore, #tpu.memory_space<semaphore_mem>>) src(%dma_wait3A_114 : memref<512x1024xf32, #tpu.memory_space<any>>) dst(%arg6 : memref<512x1024xf32, #tpu.memory_space<vmem>>)
    %dma_start3A_115 = arith.constant 0 : i32
    %dma_start3A_116 = arith.constant 1536 : i32
    %dma_start3A_117 = arith.constant 0 : i32
    %dma_start3A_118 = tpu.memref_slice %arg1[%dma_start3A_115, %dma_start3A_116, %dma_start3A_117] : memref<4x8192x1024xf32, #tpu.memory_space<any>> -> memref<1x512x1024xf32, #tpu.memory_space<any>>
    %dma_start3A_119 = tpu.memref_squeeze %dma_start3A_118 : memref<1x512x1024xf32, #tpu.memory_space<any>> -> memref<512x1024xf32, #tpu.memory_space<any>>
    tpu.enqueue_dma source(%arg6 : memref<512x1024xf32, #tpu.memory_space<vmem>>) target(%dma_start3A_119 : memref<512x1024xf32, #tpu.memory_space<any>>) target_semaphore(%arg31 : memref<!tpu.dma_semaphore, #tpu.memory_space<semaphore_mem>>)
    %dma_start3A_120 = arith.constant 1 : i32
    %dma_start3A_121 = arith.constant 1536 : i32
    %dma_start3A_122 = arith.constant 0 : i32
    %dma_start3A_123 = tpu.memref_slice %arg1[%dma_start3A_120, %dma_start3A_121, %dma_start3A_122] : memref<4x8192x1024xf32, #tpu.memory_space<any>> -> memref<1x512x1024xf32, #tpu.memory_space<any>>
    %dma_start3A_124 = tpu.memref_squeeze %dma_start3A_123 : memref<1x512x1024xf32, #tpu.memory_space<any>> -> memref<512x1024xf32, #tpu.memory_space<any>>
    tpu.enqueue_dma source(%arg6 : memref<512x1024xf32, #tpu.memory_space<vmem>>) target(%dma_start3A_124 : memref<512x1024xf32, #tpu.memory_space<any>>) target_semaphore(%arg31 : memref<!tpu.dma_semaphore, #tpu.memory_space<semaphore_mem>>)
    %dma_start3A_125 = arith.constant 2 : i32
    %dma_start3A_126 = arith.constant 1536 : i32
    %dma_start3A_127 = arith.constant 0 : i32
    %dma_start3A_128 = tpu.memref_slice %arg1[%dma_start3A_125, %dma_start3A_126, %dma_start3A_127] : memref<4x8192x1024xf32, #tpu.memory_space<any>> -> memref<1x512x1024xf32, #tpu.memory_space<any>>
    %dma_start3A_129 = tpu.memref_squeeze %dma_start3A_128 : memref<1x512x1024xf32, #tpu.memory_space<any>> -> memref<512x1024xf32, #tpu.memory_space<any>>
    tpu.enqueue_dma source(%arg6 : memref<512x1024xf32, #tpu.memory_space<vmem>>) target(%dma_start3A_129 : memref<512x1024xf32, #tpu.memory_space<any>>) target_semaphore(%arg31 : memref<!tpu.dma_semaphore, #tpu.memory_space<semaphore_mem>>)
    %dma_start3A_130 = arith.constant 3 : i32
    %dma_start3A_131 = arith.constant 1536 : i32
    %dma_start3A_132 = arith.constant 0 : i32
    %dma_start3A_133 = tpu.memref_slice %arg1[%dma_start3A_130, %dma_start3A_131, %dma_start3A_132] : memref<4x8192x1024xf32, #tpu.memory_space<any>> -> memref<1x512x1024xf32, #tpu.memory_space<any>>
    %dma_start3A_134 = tpu.memref_squeeze %dma_start3A_133 : memref<1x512x1024xf32, #tpu.memory_space<any>> -> memref<512x1024xf32, #tpu.memory_space<any>>
    tpu.enqueue_dma source(%arg6 : memref<512x1024xf32, #tpu.memory_space<vmem>>) target(%dma_start3A_134 : memref<512x1024xf32, #tpu.memory_space<any>>) target_semaphore(%arg31 : memref<!tpu.dma_semaphore, #tpu.memory_space<semaphore_mem>>)
    %dma_wait3A_135 = arith.constant 2048 : i32
    %dma_wait3A_136 = arith.constant 0 : i32
    %dma_wait3A_137 = tpu.memref_slice %arg0[%dma_wait3A_135, %dma_wait3A_136] : memref<8192x1024xf32, #tpu.memory_space<any>> -> memref<512x1024xf32, #tpu.memory_space<any>>
    tpu.wait_dma2 semaphore(%arg21 : memref<!tpu.dma_semaphore, #tpu.memory_space<semaphore_mem>>) src(%dma_wait3A_137 : memref<512x1024xf32, #tpu.memory_space<any>>) dst(%arg7 : memref<512x1024xf32, #tpu.memory_space<vmem>>)
    %dma_start3A_138 = arith.constant 0 : i32
    %dma_start3A_139 = arith.constant 2048 : i32
    %dma_start3A_140 = arith.constant 0 : i32
    %dma_start3A_141 = tpu.memref_slice %arg1[%dma_start3A_138, %dma_start3A_139, %dma_start3A_140] : memref<4x8192x1024xf32, #tpu.memory_space<any>> -> memref<1x512x1024xf32, #tpu.memory_space<any>>
    %dma_start3A_142 = tpu.memref_squeeze %dma_start3A_141 : memref<1x512x1024xf32, #tpu.memory_space<any>> -> memref<512x1024xf32, #tpu.memory_space<any>>
    tpu.enqueue_dma source(%arg7 : memref<512x1024xf32, #tpu.memory_space<vmem>>) target(%dma_start3A_142 : memref<512x1024xf32, #tpu.memory_space<any>>) target_semaphore(%arg31 : memref<!tpu.dma_semaphore, #tpu.memory_space<semaphore_mem>>)
    %dma_start3A_143 = arith.constant 1 : i32
    %dma_start3A_144 = arith.constant 2048 : i32
    %dma_start3A_145 = arith.constant 0 : i32
    %dma_start3A_146 = tpu.memref_slice %arg1[%dma_start3A_143, %dma_start3A_144, %dma_start3A_145] : memref<4x8192x1024xf32, #tpu.memory_space<any>> -> memref<1x512x1024xf32, #tpu.memory_space<any>>
    %dma_start3A_147 = tpu.memref_squeeze %dma_start3A_146 : memref<1x512x1024xf32, #tpu.memory_space<any>> -> memref<512x1024xf32, #tpu.memory_space<any>>
    tpu.enqueue_dma source(%arg7 : memref<512x1024xf32, #tpu.memory_space<vmem>>) target(%dma_start3A_147 : memref<512x1024xf32, #tpu.memory_space<any>>) target_semaphore(%arg31 : memref<!tpu.dma_semaphore, #tpu.memory_space<semaphore_mem>>)
    %dma_start3A_148 = arith.constant 2 : i32
    %dma_start3A_149 = arith.constant 2048 : i32
    %dma_start3A_150 = arith.constant 0 : i32
    %dma_start3A_151 = tpu.memref_slice %arg1[%dma_start3A_148, %dma_start3A_149, %dma_start3A_150] : memref<4x8192x1024xf32, #tpu.memory_space<any>> -> memref<1x512x1024xf32, #tpu.memory_space<any>>
    %dma_start3A_152 = tpu.memref_squeeze %dma_start3A_151 : memref<1x512x1024xf32, #tpu.memory_space<any>> -> memref<512x1024xf32, #tpu.memory_space<any>>
    tpu.enqueue_dma source(%arg7 : memref<512x1024xf32, #tpu.memory_space<vmem>>) target(%dma_start3A_152 : memref<512x1024xf32, #tpu.memory_space<any>>) target_semaphore(%arg31 : memref<!tpu.dma_semaphore, #tpu.memory_space<semaphore_mem>>)
    %dma_start3A_153 = arith.constant 3 : i32
    %dma_start3A_154 = arith.constant 2048 : i32
    %dma_start3A_155 = arith.constant 0 : i32
    %dma_start3A_156 = tpu.memref_slice %arg1[%dma_start3A_153, %dma_start3A_154, %dma_start3A_155] : memref<4x8192x1024xf32, #tpu.memory_space<any>> -> memref<1x512x1024xf32, #tpu.memory_space<any>>
    %dma_start3A_157 = tpu.memref_squeeze %dma_start3A_156 : memref<1x512x1024xf32, #tpu.memory_space<any>> -> memref<512x1024xf32, #tpu.memory_space<any>>
    tpu.enqueue_dma source(%arg7 : memref<512x1024xf32, #tpu.memory_space<vmem>>) target(%dma_start3A_157 : memref<512x1024xf32, #tpu.memory_space<any>>) target_semaphore(%arg31 : memref<!tpu.dma_semaphore, #tpu.memory_space<semaphore_mem>>)
    %dma_wait3A_158 = arith.constant 2560 : i32
    %dma_wait3A_159 = arith.constant 0 : i32
    %dma_wait3A_160 = tpu.memref_slice %arg0[%dma_wait3A_158, %dma_wait3A_159] : memref<8192x1024xf32, #tpu.memory_space<any>> -> memref<512x1024xf32, #tpu.memory_space<any>>
    tpu.wait_dma2 semaphore(%arg22 : memref<!tpu.dma_semaphore, #tpu.memory_space<semaphore_mem>>) src(%dma_wait3A_160 : memref<512x1024xf32, #tpu.memory_space<any>>) dst(%arg8 : memref<512x1024xf32, #tpu.memory_space<vmem>>)
    %dma_start3A_161 = arith.constant 0 : i32
    %dma_start3A_162 = arith.constant 2560 : i32
    %dma_start3A_163 = arith.constant 0 : i32
    %dma_start3A_164 = tpu.memref_slice %arg1[%dma_start3A_161, %dma_start3A_162, %dma_start3A_163] : memref<4x8192x1024xf32, #tpu.memory_space<any>> -> memref<1x512x1024xf32, #tpu.memory_space<any>>
    %dma_start3A_165 = tpu.memref_squeeze %dma_start3A_164 : memref<1x512x1024xf32, #tpu.memory_space<any>> -> memref<512x1024xf32, #tpu.memory_space<any>>
    tpu.enqueue_dma source(%arg8 : memref<512x1024xf32, #tpu.memory_space<vmem>>) target(%dma_start3A_165 : memref<512x1024xf32, #tpu.memory_space<any>>) target_semaphore(%arg31 : memref<!tpu.dma_semaphore, #tpu.memory_space<semaphore_mem>>)
    %dma_start3A_166 = arith.constant 1 : i32
    %dma_start3A_167 = arith.constant 2560 : i32
    %dma_start3A_168 = arith.constant 0 : i32
    %dma_start3A_169 = tpu.memref_slice %arg1[%dma_start3A_166, %dma_start3A_167, %dma_start3A_168] : memref<4x8192x1024xf32, #tpu.memory_space<any>> -> memref<1x512x1024xf32, #tpu.memory_space<any>>
    %dma_start3A_170 = tpu.memref_squeeze %dma_start3A_169 : memref<1x512x1024xf32, #tpu.memory_space<any>> -> memref<512x1024xf32, #tpu.memory_space<any>>
    tpu.enqueue_dma source(%arg8 : memref<512x1024xf32, #tpu.memory_space<vmem>>) target(%dma_start3A_170 : memref<512x1024xf32, #tpu.memory_space<any>>) target_semaphore(%arg31 : memref<!tpu.dma_semaphore, #tpu.memory_space<semaphore_mem>>)
    %dma_start3A_171 = arith.constant 2 : i32
    %dma_start3A_172 = arith.constant 2560 : i32
    %dma_start3A_173 = arith.constant 0 : i32
    %dma_start3A_174 = tpu.memref_slice %arg1[%dma_start3A_171, %dma_start3A_172, %dma_start3A_173] : memref<4x8192x1024xf32, #tpu.memory_space<any>> -> memref<1x512x1024xf32, #tpu.memory_space<any>>
    %dma_start3A_175 = tpu.memref_squeeze %dma_start3A_174 : memref<1x512x1024xf32, #tpu.memory_space<any>> -> memref<512x1024xf32, #tpu.memory_space<any>>
    tpu.enqueue_dma source(%arg8 : memref<512x1024xf32, #tpu.memory_space<vmem>>) target(%dma_start3A_175 : memref<512x1024xf32, #tpu.memory_space<any>>) target_semaphore(%arg31 : memref<!tpu.dma_semaphore, #tpu.memory_space<semaphore_mem>>)
    %dma_start3A_176 = arith.constant 3 : i32
    %dma_start3A_177 = arith.constant 2560 : i32
    %dma_start3A_178 = arith.constant 0 : i32
    %dma_start3A_179 = tpu.memref_slice %arg1[%dma_start3A_176, %dma_start3A_177, %dma_start3A_178] : memref<4x8192x1024xf32, #tpu.memory_space<any>> -> memref<1x512x1024xf32, #tpu.memory_space<any>>
    %dma_start3A_180 = tpu.memref_squeeze %dma_start3A_179 : memref<1x512x1024xf32, #tpu.memory_space<any>> -> memref<512x1024xf32, #tpu.memory_space<any>>
    tpu.enqueue_dma source(%arg8 : memref<512x1024xf32, #tpu.memory_space<vmem>>) target(%dma_start3A_180 : memref<512x1024xf32, #tpu.memory_space<any>>) target_semaphore(%arg31 : memref<!tpu.dma_semaphore, #tpu.memory_space<semaphore_mem>>)
    %dma_wait3A_181 = arith.constant 3072 : i32
    %dma_wait3A_182 = arith.constant 0 : i32
    %dma_wait3A_183 = tpu.memref_slice %arg0[%dma_wait3A_181, %dma_wait3A_182] : memref<8192x1024xf32, #tpu.memory_space<any>> -> memref<512x1024xf32, #tpu.memory_space<any>>
    tpu.wait_dma2 semaphore(%arg23 : memref<!tpu.dma_semaphore, #tpu.memory_space<semaphore_mem>>) src(%dma_wait3A_183 : memref<512x1024xf32, #tpu.memory_space<any>>) dst(%arg9 : memref<512x1024xf32, #tpu.memory_space<vmem>>)
    %dma_start3A_184 = arith.constant 0 : i32
    %dma_start3A_185 = arith.constant 3072 : i32
    %dma_start3A_186 = arith.constant 0 : i32
    %dma_start3A_187 = tpu.memref_slice %arg1[%dma_start3A_184, %dma_start3A_185, %dma_start3A_186] : memref<4x8192x1024xf32, #tpu.memory_space<any>> -> memref<1x512x1024xf32, #tpu.memory_space<any>>
    %dma_start3A_188 = tpu.memref_squeeze %dma_start3A_187 : memref<1x512x1024xf32, #tpu.memory_space<any>> -> memref<512x1024xf32, #tpu.memory_space<any>>
    tpu.enqueue_dma source(%arg9 : memref<512x1024xf32, #tpu.memory_space<vmem>>) target(%dma_start3A_188 : memref<512x1024xf32, #tpu.memory_space<any>>) target_semaphore(%arg31 : memref<!tpu.dma_semaphore, #tpu.memory_space<semaphore_mem>>)
    %dma_start3A_189 = arith.constant 1 : i32
    %dma_start3A_190 = arith.constant 3072 : i32
    %dma_start3A_191 = arith.constant 0 : i32
    %dma_start3A_192 = tpu.memref_slice %arg1[%dma_start3A_189, %dma_start3A_190, %dma_start3A_191] : memref<4x8192x1024xf32, #tpu.memory_space<any>> -> memref<1x512x1024xf32, #tpu.memory_space<any>>
    %dma_start3A_193 = tpu.memref_squeeze %dma_start3A_192 : memref<1x512x1024xf32, #tpu.memory_space<any>> -> memref<512x1024xf32, #tpu.memory_space<any>>
    tpu.enqueue_dma source(%arg9 : memref<512x1024xf32, #tpu.memory_space<vmem>>) target(%dma_start3A_193 : memref<512x1024xf32, #tpu.memory_space<any>>) target_semaphore(%arg31 : memref<!tpu.dma_semaphore, #tpu.memory_space<semaphore_mem>>)
    %dma_start3A_194 = arith.constant 2 : i32
    %dma_start3A_195 = arith.constant 3072 : i32
    %dma_start3A_196 = arith.constant 0 : i32
    %dma_start3A_197 = tpu.memref_slice %arg1[%dma_start3A_194, %dma_start3A_195, %dma_start3A_196] : memref<4x8192x1024xf32, #tpu.memory_space<any>> -> memref<1x512x1024xf32, #tpu.memory_space<any>>
    %dma_start3A_198 = tpu.memref_squeeze %dma_start3A_197 : memref<1x512x1024xf32, #tpu.memory_space<any>> -> memref<512x1024xf32, #tpu.memory_space<any>>
    tpu.enqueue_dma source(%arg9 : memref<512x1024xf32, #tpu.memory_space<vmem>>) target(%dma_start3A_198 : memref<512x1024xf32, #tpu.memory_space<any>>) target_semaphore(%arg31 : memref<!tpu.dma_semaphore, #tpu.memory_space<semaphore_mem>>)
    %dma_start3A_199 = arith.constant 3 : i32
    %dma_start3A_200 = arith.constant 3072 : i32
    %dma_start3A_201 = arith.constant 0 : i32
    %dma_start3A_202 = tpu.memref_slice %arg1[%dma_start3A_199, %dma_start3A_200, %dma_start3A_201] : memref<4x8192x1024xf32, #tpu.memory_space<any>> -> memref<1x512x1024xf32, #tpu.memory_space<any>>
    %dma_start3A_203 = tpu.memref_squeeze %dma_start3A_202 : memref<1x512x1024xf32, #tpu.memory_space<any>> -> memref<512x1024xf32, #tpu.memory_space<any>>
    tpu.enqueue_dma source(%arg9 : memref<512x1024xf32, #tpu.memory_space<vmem>>) target(%dma_start3A_203 : memref<512x1024xf32, #tpu.memory_space<any>>) target_semaphore(%arg31 : memref<!tpu.dma_semaphore, #tpu.memory_space<semaphore_mem>>)
    %dma_wait3A_204 = arith.constant 3584 : i32
    %dma_wait3A_205 = arith.constant 0 : i32
    %dma_wait3A_206 = tpu.memref_slice %arg0[%dma_wait3A_204, %dma_wait3A_205] : memref<8192x1024xf32, #tpu.memory_space<any>> -> memref<512x1024xf32, #tpu.memory_space<any>>
    tpu.wait_dma2 semaphore(%arg24 : memref<!tpu.dma_semaphore, #tpu.memory_space<semaphore_mem>>) src(%dma_wait3A_206 : memref<512x1024xf32, #tpu.memory_space<any>>) dst(%arg10 : memref<512x1024xf32, #tpu.memory_space<vmem>>)
    %dma_start3A_207 = arith.constant 0 : i32
    %dma_start3A_208 = arith.constant 3584 : i32
    %dma_start3A_209 = arith.constant 0 : i32
    %dma_start3A_210 = tpu.memref_slice %arg1[%dma_start3A_207, %dma_start3A_208, %dma_start3A_209] : memref<4x8192x1024xf32, #tpu.memory_space<any>> -> memref<1x512x1024xf32, #tpu.memory_space<any>>
    %dma_start3A_211 = tpu.memref_squeeze %dma_start3A_210 : memref<1x512x1024xf32, #tpu.memory_space<any>> -> memref<512x1024xf32, #tpu.memory_space<any>>
    tpu.enqueue_dma source(%arg10 : memref<512x1024xf32, #tpu.memory_space<vmem>>) target(%dma_start3A_211 : memref<512x1024xf32, #tpu.memory_space<any>>) target_semaphore(%arg31 : memref<!tpu.dma_semaphore, #tpu.memory_space<semaphore_mem>>)
    %dma_start3A_212 = arith.constant 1 : i32
    %dma_start3A_213 = arith.constant 3584 : i32
    %dma_start3A_214 = arith.constant 0 : i32
    %dma_start3A_215 = tpu.memref_slice %arg1[%dma_start3A_212, %dma_start3A_213, %dma_start3A_214] : memref<4x8192x1024xf32, #tpu.memory_space<any>> -> memref<1x512x1024xf32, #tpu.memory_space<any>>
    %dma_start3A_216 = tpu.memref_squeeze %dma_start3A_215 : memref<1x512x1024xf32, #tpu.memory_space<any>> -> memref<512x1024xf32, #tpu.memory_space<any>>
    tpu.enqueue_dma source(%arg10 : memref<512x1024xf32, #tpu.memory_space<vmem>>) target(%dma_start3A_216 : memref<512x1024xf32, #tpu.memory_space<any>>) target_semaphore(%arg31 : memref<!tpu.dma_semaphore, #tpu.memory_space<semaphore_mem>>)
    %dma_start3A_217 = arith.constant 2 : i32
    %dma_start3A_218 = arith.constant 3584 : i32
    %dma_start3A_219 = arith.constant 0 : i32
    %dma_start3A_220 = tpu.memref_slice %arg1[%dma_start3A_217, %dma_start3A_218, %dma_start3A_219] : memref<4x8192x1024xf32, #tpu.memory_space<any>> -> memref<1x512x1024xf32, #tpu.memory_space<any>>
    %dma_start3A_221 = tpu.memref_squeeze %dma_start3A_220 : memref<1x512x1024xf32, #tpu.memory_space<any>> -> memref<512x1024xf32, #tpu.memory_space<any>>
    tpu.enqueue_dma source(%arg10 : memref<512x1024xf32, #tpu.memory_space<vmem>>) target(%dma_start3A_221 : memref<512x1024xf32, #tpu.memory_space<any>>) target_semaphore(%arg31 : memref<!tpu.dma_semaphore, #tpu.memory_space<semaphore_mem>>)
    %dma_start3A_222 = arith.constant 3 : i32
    %dma_start3A_223 = arith.constant 3584 : i32
    %dma_start3A_224 = arith.constant 0 : i32
    %dma_start3A_225 = tpu.memref_slice %arg1[%dma_start3A_222, %dma_start3A_223, %dma_start3A_224] : memref<4x8192x1024xf32, #tpu.memory_space<any>> -> memref<1x512x1024xf32, #tpu.memory_space<any>>
    %dma_start3A_226 = tpu.memref_squeeze %dma_start3A_225 : memref<1x512x1024xf32, #tpu.memory_space<any>> -> memref<512x1024xf32, #tpu.memory_space<any>>
    tpu.enqueue_dma source(%arg10 : memref<512x1024xf32, #tpu.memory_space<vmem>>) target(%dma_start3A_226 : memref<512x1024xf32, #tpu.memory_space<any>>) target_semaphore(%arg31 : memref<!tpu.dma_semaphore, #tpu.memory_space<semaphore_mem>>)
    %dma_wait3A_227 = arith.constant 4096 : i32
    %dma_wait3A_228 = arith.constant 0 : i32
    %dma_wait3A_229 = tpu.memref_slice %arg0[%dma_wait3A_227, %dma_wait3A_228] : memref<8192x1024xf32, #tpu.memory_space<any>> -> memref<512x1024xf32, #tpu.memory_space<any>>
    tpu.wait_dma2 semaphore(%arg25 : memref<!tpu.dma_semaphore, #tpu.memory_space<semaphore_mem>>) src(%dma_wait3A_229 : memref<512x1024xf32, #tpu.memory_space<any>>) dst(%arg11 : memref<512x1024xf32, #tpu.memory_space<vmem>>)
    %dma_start3A_230 = arith.constant 0 : i32
    %dma_start3A_231 = arith.constant 4096 : i32
    %dma_start3A_232 = arith.constant 0 : i32
    %dma_start3A_233 = tpu.memref_slice %arg1[%dma_start3A_230, %dma_start3A_231, %dma_start3A_232] : memref<4x8192x1024xf32, #tpu.memory_space<any>> -> memref<1x512x1024xf32, #tpu.memory_space<any>>
    %dma_start3A_234 = tpu.memref_squeeze %dma_start3A_233 : memref<1x512x1024xf32, #tpu.memory_space<any>> -> memref<512x1024xf32, #tpu.memory_space<any>>
    tpu.enqueue_dma source(%arg11 : memref<512x1024xf32, #tpu.memory_space<vmem>>) target(%dma_start3A_234 : memref<512x1024xf32, #tpu.memory_space<any>>) target_semaphore(%arg31 : memref<!tpu.dma_semaphore, #tpu.memory_space<semaphore_mem>>)
    %dma_start3A_235 = arith.constant 1 : i32
    %dma_start3A_236 = arith.constant 4096 : i32
    %dma_start3A_237 = arith.constant 0 : i32
    %dma_start3A_238 = tpu.memref_slice %arg1[%dma_start3A_235, %dma_start3A_236, %dma_start3A_237] : memref<4x8192x1024xf32, #tpu.memory_space<any>> -> memref<1x512x1024xf32, #tpu.memory_space<any>>
    %dma_start3A_239 = tpu.memref_squeeze %dma_start3A_238 : memref<1x512x1024xf32, #tpu.memory_space<any>> -> memref<512x1024xf32, #tpu.memory_space<any>>
    tpu.enqueue_dma source(%arg11 : memref<512x1024xf32, #tpu.memory_space<vmem>>) target(%dma_start3A_239 : memref<512x1024xf32, #tpu.memory_space<any>>) target_semaphore(%arg31 : memref<!tpu.dma_semaphore, #tpu.memory_space<semaphore_mem>>)
    %dma_start3A_240 = arith.constant 2 : i32
    %dma_start3A_241 = arith.constant 4096 : i32
    %dma_start3A_242 = arith.constant 0 : i32
    %dma_start3A_243 = tpu.memref_slice %arg1[%dma_start3A_240, %dma_start3A_241, %dma_start3A_242] : memref<4x8192x1024xf32, #tpu.memory_space<any>> -> memref<1x512x1024xf32, #tpu.memory_space<any>>
    %dma_start3A_244 = tpu.memref_squeeze %dma_start3A_243 : memref<1x512x1024xf32, #tpu.memory_space<any>> -> memref<512x1024xf32, #tpu.memory_space<any>>
    tpu.enqueue_dma source(%arg11 : memref<512x1024xf32, #tpu.memory_space<vmem>>) target(%dma_start3A_244 : memref<512x1024xf32, #tpu.memory_space<any>>) target_semaphore(%arg31 : memref<!tpu.dma_semaphore, #tpu.memory_space<semaphore_mem>>)
    %dma_start3A_245 = arith.constant 3 : i32
    %dma_start3A_246 = arith.constant 4096 : i32
    %dma_start3A_247 = arith.constant 0 : i32
    %dma_start3A_248 = tpu.memref_slice %arg1[%dma_start3A_245, %dma_start3A_246, %dma_start3A_247] : memref<4x8192x1024xf32, #tpu.memory_space<any>> -> memref<1x512x1024xf32, #tpu.memory_space<any>>
    %dma_start3A_249 = tpu.memref_squeeze %dma_start3A_248 : memref<1x512x1024xf32, #tpu.memory_space<any>> -> memref<512x1024xf32, #tpu.memory_space<any>>
    tpu.enqueue_dma source(%arg11 : memref<512x1024xf32, #tpu.memory_space<vmem>>) target(%dma_start3A_249 : memref<512x1024xf32, #tpu.memory_space<any>>) target_semaphore(%arg31 : memref<!tpu.dma_semaphore, #tpu.memory_space<semaphore_mem>>)
    %dma_wait3A_250 = arith.constant 4608 : i32
    %dma_wait3A_251 = arith.constant 0 : i32
    %dma_wait3A_252 = tpu.memref_slice %arg0[%dma_wait3A_250, %dma_wait3A_251] : memref<8192x1024xf32, #tpu.memory_space<any>> -> memref<512x1024xf32, #tpu.memory_space<any>>
    tpu.wait_dma2 semaphore(%arg26 : memref<!tpu.dma_semaphore, #tpu.memory_space<semaphore_mem>>) src(%dma_wait3A_252 : memref<512x1024xf32, #tpu.memory_space<any>>) dst(%arg12 : memref<512x1024xf32, #tpu.memory_space<vmem>>)
    %dma_start3A_253 = arith.constant 0 : i32
    %dma_start3A_254 = arith.constant 4608 : i32
    %dma_start3A_255 = arith.constant 0 : i32
    %dma_start3A_256 = tpu.memref_slice %arg1[%dma_start3A_253, %dma_start3A_254, %dma_start3A_255] : memref<4x8192x1024xf32, #tpu.memory_space<any>> -> memref<1x512x1024xf32, #tpu.memory_space<any>>
    %dma_start3A_257 = tpu.memref_squeeze %dma_start3A_256 : memref<1x512x1024xf32, #tpu.memory_space<any>> -> memref<512x1024xf32, #tpu.memory_space<any>>
    tpu.enqueue_dma source(%arg12 : memref<512x1024xf32, #tpu.memory_space<vmem>>) target(%dma_start3A_257 : memref<512x1024xf32, #tpu.memory_space<any>>) target_semaphore(%arg31 : memref<!tpu.dma_semaphore, #tpu.memory_space<semaphore_mem>>)
    %dma_start3A_258 = arith.constant 1 : i32
    %dma_start3A_259 = arith.constant 4608 : i32
    %dma_start3A_260 = arith.constant 0 : i32
    %dma_start3A_261 = tpu.memref_slice %arg1[%dma_start3A_258, %dma_start3A_259, %dma_start3A_260] : memref<4x8192x1024xf32, #tpu.memory_space<any>> -> memref<1x512x1024xf32, #tpu.memory_space<any>>
    %dma_start3A_262 = tpu.memref_squeeze %dma_start3A_261 : memref<1x512x1024xf32, #tpu.memory_space<any>> -> memref<512x1024xf32, #tpu.memory_space<any>>
    tpu.enqueue_dma source(%arg12 : memref<512x1024xf32, #tpu.memory_space<vmem>>) target(%dma_start3A_262 : memref<512x1024xf32, #tpu.memory_space<any>>) target_semaphore(%arg31 : memref<!tpu.dma_semaphore, #tpu.memory_space<semaphore_mem>>)
    %dma_start3A_263 = arith.constant 2 : i32
    %dma_start3A_264 = arith.constant 4608 : i32
    %dma_start3A_265 = arith.constant 0 : i32
    %dma_start3A_266 = tpu.memref_slice %arg1[%dma_start3A_263, %dma_start3A_264, %dma_start3A_265] : memref<4x8192x1024xf32, #tpu.memory_space<any>> -> memref<1x512x1024xf32, #tpu.memory_space<any>>
    %dma_start3A_267 = tpu.memref_squeeze %dma_start3A_266 : memref<1x512x1024xf32, #tpu.memory_space<any>> -> memref<512x1024xf32, #tpu.memory_space<any>>
    tpu.enqueue_dma source(%arg12 : memref<512x1024xf32, #tpu.memory_space<vmem>>) target(%dma_start3A_267 : memref<512x1024xf32, #tpu.memory_space<any>>) target_semaphore(%arg31 : memref<!tpu.dma_semaphore, #tpu.memory_space<semaphore_mem>>)
    %dma_start3A_268 = arith.constant 3 : i32
    %dma_start3A_269 = arith.constant 4608 : i32
    %dma_start3A_270 = arith.constant 0 : i32
    %dma_start3A_271 = tpu.memref_slice %arg1[%dma_start3A_268, %dma_start3A_269, %dma_start3A_270] : memref<4x8192x1024xf32, #tpu.memory_space<any>> -> memref<1x512x1024xf32, #tpu.memory_space<any>>
    %dma_start3A_272 = tpu.memref_squeeze %dma_start3A_271 : memref<1x512x1024xf32, #tpu.memory_space<any>> -> memref<512x1024xf32, #tpu.memory_space<any>>
    tpu.enqueue_dma source(%arg12 : memref<512x1024xf32, #tpu.memory_space<vmem>>) target(%dma_start3A_272 : memref<512x1024xf32, #tpu.memory_space<any>>) target_semaphore(%arg31 : memref<!tpu.dma_semaphore, #tpu.memory_space<semaphore_mem>>)
    %dma_wait3A_273 = arith.constant 5120 : i32
    %dma_wait3A_274 = arith.constant 0 : i32
    %dma_wait3A_275 = tpu.memref_slice %arg0[%dma_wait3A_273, %dma_wait3A_274] : memref<8192x1024xf32, #tpu.memory_space<any>> -> memref<512x1024xf32, #tpu.memory_space<any>>
    tpu.wait_dma2 semaphore(%arg27 : memref<!tpu.dma_semaphore, #tpu.memory_space<semaphore_mem>>) src(%dma_wait3A_275 : memref<512x1024xf32, #tpu.memory_space<any>>) dst(%arg13 : memref<512x1024xf32, #tpu.memory_space<vmem>>)
    %dma_start3A_276 = arith.constant 0 : i32
    %dma_start3A_277 = arith.constant 5120 : i32
    %dma_start3A_278 = arith.constant 0 : i32
    %dma_start3A_279 = tpu.memref_slice %arg1[%dma_start3A_276, %dma_start3A_277, %dma_start3A_278] : memref<4x8192x1024xf32, #tpu.memory_space<any>> -> memref<1x512x1024xf32, #tpu.memory_space<any>>
    %dma_start3A_280 = tpu.memref_squeeze %dma_start3A_279 : memref<1x512x1024xf32, #tpu.memory_space<any>> -> memref<512x1024xf32, #tpu.memory_space<any>>
    tpu.enqueue_dma source(%arg13 : memref<512x1024xf32, #tpu.memory_space<vmem>>) target(%dma_start3A_280 : memref<512x1024xf32, #tpu.memory_space<any>>) target_semaphore(%arg31 : memref<!tpu.dma_semaphore, #tpu.memory_space<semaphore_mem>>)
    %dma_start3A_281 = arith.constant 1 : i32
    %dma_start3A_282 = arith.constant 5120 : i32
    %dma_start3A_283 = arith.constant 0 : i32
    %dma_start3A_284 = tpu.memref_slice %arg1[%dma_start3A_281, %dma_start3A_282, %dma_start3A_283] : memref<4x8192x1024xf32, #tpu.memory_space<any>> -> memref<1x512x1024xf32, #tpu.memory_space<any>>
    %dma_start3A_285 = tpu.memref_squeeze %dma_start3A_284 : memref<1x512x1024xf32, #tpu.memory_space<any>> -> memref<512x1024xf32, #tpu.memory_space<any>>
    tpu.enqueue_dma source(%arg13 : memref<512x1024xf32, #tpu.memory_space<vmem>>) target(%dma_start3A_285 : memref<512x1024xf32, #tpu.memory_space<any>>) target_semaphore(%arg31 : memref<!tpu.dma_semaphore, #tpu.memory_space<semaphore_mem>>)
    %dma_start3A_286 = arith.constant 2 : i32
    %dma_start3A_287 = arith.constant 5120 : i32
    %dma_start3A_288 = arith.constant 0 : i32
    %dma_start3A_289 = tpu.memref_slice %arg1[%dma_start3A_286, %dma_start3A_287, %dma_start3A_288] : memref<4x8192x1024xf32, #tpu.memory_space<any>> -> memref<1x512x1024xf32, #tpu.memory_space<any>>
    %dma_start3A_290 = tpu.memref_squeeze %dma_start3A_289 : memref<1x512x1024xf32, #tpu.memory_space<any>> -> memref<512x1024xf32, #tpu.memory_space<any>>
    tpu.enqueue_dma source(%arg13 : memref<512x1024xf32, #tpu.memory_space<vmem>>) target(%dma_start3A_290 : memref<512x1024xf32, #tpu.memory_space<any>>) target_semaphore(%arg31 : memref<!tpu.dma_semaphore, #tpu.memory_space<semaphore_mem>>)
    %dma_start3A_291 = arith.constant 3 : i32
    %dma_start3A_292 = arith.constant 5120 : i32
    %dma_start3A_293 = arith.constant 0 : i32
    %dma_start3A_294 = tpu.memref_slice %arg1[%dma_start3A_291, %dma_start3A_292, %dma_start3A_293] : memref<4x8192x1024xf32, #tpu.memory_space<any>> -> memref<1x512x1024xf32, #tpu.memory_space<any>>
    %dma_start3A_295 = tpu.memref_squeeze %dma_start3A_294 : memref<1x512x1024xf32, #tpu.memory_space<any>> -> memref<512x1024xf32, #tpu.memory_space<any>>
    tpu.enqueue_dma source(%arg13 : memref<512x1024xf32, #tpu.memory_space<vmem>>) target(%dma_start3A_295 : memref<512x1024xf32, #tpu.memory_space<any>>) target_semaphore(%arg31 : memref<!tpu.dma_semaphore, #tpu.memory_space<semaphore_mem>>)
    %dma_wait3A_296 = arith.constant 5632 : i32
    %dma_wait3A_297 = arith.constant 0 : i32
    %dma_wait3A_298 = tpu.memref_slice %arg0[%dma_wait3A_296, %dma_wait3A_297] : memref<8192x1024xf32, #tpu.memory_space<any>> -> memref<512x1024xf32, #tpu.memory_space<any>>
    tpu.wait_dma2 semaphore(%arg28 : memref<!tpu.dma_semaphore, #tpu.memory_space<semaphore_mem>>) src(%dma_wait3A_298 : memref<512x1024xf32, #tpu.memory_space<any>>) dst(%arg14 : memref<512x1024xf32, #tpu.memory_space<vmem>>)
    %dma_start3A_299 = arith.constant 0 : i32
    %dma_start3A_300 = arith.constant 5632 : i32
    %dma_start3A_301 = arith.constant 0 : i32
    %dma_start3A_302 = tpu.memref_slice %arg1[%dma_start3A_299, %dma_start3A_300, %dma_start3A_301] : memref<4x8192x1024xf32, #tpu.memory_space<any>> -> memref<1x512x1024xf32, #tpu.memory_space<any>>
    %dma_start3A_303 = tpu.memref_squeeze %dma_start3A_302 : memref<1x512x1024xf32, #tpu.memory_space<any>> -> memref<512x1024xf32, #tpu.memory_space<any>>
    tpu.enqueue_dma source(%arg14 : memref<512x1024xf32, #tpu.memory_space<vmem>>) target(%dma_start3A_303 : memref<512x1024xf32, #tpu.memory_space<any>>) target_semaphore(%arg31 : memref<!tpu.dma_semaphore, #tpu.memory_space<semaphore_mem>>)
    %dma_start3A_304 = arith.constant 1 : i32
    %dma_start3A_305 = arith.constant 5632 : i32
    %dma_start3A_306 = arith.constant 0 : i32
    %dma_start3A_307 = tpu.memref_slice %arg1[%dma_start3A_304, %dma_start3A_305, %dma_start3A_306] : memref<4x8192x1024xf32, #tpu.memory_space<any>> -> memref<1x512x1024xf32, #tpu.memory_space<any>>
    %dma_start3A_308 = tpu.memref_squeeze %dma_start3A_307 : memref<1x512x1024xf32, #tpu.memory_space<any>> -> memref<512x1024xf32, #tpu.memory_space<any>>
    tpu.enqueue_dma source(%arg14 : memref<512x1024xf32, #tpu.memory_space<vmem>>) target(%dma_start3A_308 : memref<512x1024xf32, #tpu.memory_space<any>>) target_semaphore(%arg31 : memref<!tpu.dma_semaphore, #tpu.memory_space<semaphore_mem>>)
    %dma_start3A_309 = arith.constant 2 : i32
    %dma_start3A_310 = arith.constant 5632 : i32
    %dma_start3A_311 = arith.constant 0 : i32
    %dma_start3A_312 = tpu.memref_slice %arg1[%dma_start3A_309, %dma_start3A_310, %dma_start3A_311] : memref<4x8192x1024xf32, #tpu.memory_space<any>> -> memref<1x512x1024xf32, #tpu.memory_space<any>>
    %dma_start3A_313 = tpu.memref_squeeze %dma_start3A_312 : memref<1x512x1024xf32, #tpu.memory_space<any>> -> memref<512x1024xf32, #tpu.memory_space<any>>
    tpu.enqueue_dma source(%arg14 : memref<512x1024xf32, #tpu.memory_space<vmem>>) target(%dma_start3A_313 : memref<512x1024xf32, #tpu.memory_space<any>>) target_semaphore(%arg31 : memref<!tpu.dma_semaphore, #tpu.memory_space<semaphore_mem>>)
    %dma_start3A_314 = arith.constant 3 : i32
    %dma_start3A_315 = arith.constant 5632 : i32
    %dma_start3A_316 = arith.constant 0 : i32
    %dma_start3A_317 = tpu.memref_slice %arg1[%dma_start3A_314, %dma_start3A_315, %dma_start3A_316] : memref<4x8192x1024xf32, #tpu.memory_space<any>> -> memref<1x512x1024xf32, #tpu.memory_space<any>>
    %dma_start3A_318 = tpu.memref_squeeze %dma_start3A_317 : memref<1x512x1024xf32, #tpu.memory_space<any>> -> memref<512x1024xf32, #tpu.memory_space<any>>
    tpu.enqueue_dma source(%arg14 : memref<512x1024xf32, #tpu.memory_space<vmem>>) target(%dma_start3A_318 : memref<512x1024xf32, #tpu.memory_space<any>>) target_semaphore(%arg31 : memref<!tpu.dma_semaphore, #tpu.memory_space<semaphore_mem>>)
    %dma_wait3A_319 = arith.constant 6144 : i32
    %dma_wait3A_320 = arith.constant 0 : i32
    %dma_wait3A_321 = tpu.memref_slice %arg0[%dma_wait3A_319, %dma_wait3A_320] : memref<8192x1024xf32, #tpu.memory_space<any>> -> memref<512x1024xf32, #tpu.memory_space<any>>
    tpu.wait_dma2 semaphore(%arg29 : memref<!tpu.dma_semaphore, #tpu.memory_space<semaphore_mem>>) src(%dma_wait3A_321 : memref<512x1024xf32, #tpu.memory_space<any>>) dst(%arg15 : memref<512x1024xf32, #tpu.memory_space<vmem>>)
    %dma_start3A_322 = arith.constant 0 : i32
    %dma_start3A_323 = arith.constant 6144 : i32
    %dma_start3A_324 = arith.constant 0 : i32
    %dma_start3A_325 = tpu.memref_slice %arg1[%dma_start3A_322, %dma_start3A_323, %dma_start3A_324] : memref<4x8192x1024xf32, #tpu.memory_space<any>> -> memref<1x512x1024xf32, #tpu.memory_space<any>>
    %dma_start3A_326 = tpu.memref_squeeze %dma_start3A_325 : memref<1x512x1024xf32, #tpu.memory_space<any>> -> memref<512x1024xf32, #tpu.memory_space<any>>
    tpu.enqueue_dma source(%arg15 : memref<512x1024xf32, #tpu.memory_space<vmem>>) target(%dma_start3A_326 : memref<512x1024xf32, #tpu.memory_space<any>>) target_semaphore(%arg31 : memref<!tpu.dma_semaphore, #tpu.memory_space<semaphore_mem>>)
    %dma_start3A_327 = arith.constant 1 : i32
    %dma_start3A_328 = arith.constant 6144 : i32
    %dma_start3A_329 = arith.constant 0 : i32
    %dma_start3A_330 = tpu.memref_slice %arg1[%dma_start3A_327, %dma_start3A_328, %dma_start3A_329] : memref<4x8192x1024xf32, #tpu.memory_space<any>> -> memref<1x512x1024xf32, #tpu.memory_space<any>>
    %dma_start3A_331 = tpu.memref_squeeze %dma_start3A_330 : memref<1x512x1024xf32, #tpu.memory_space<any>> -> memref<512x1024xf32, #tpu.memory_space<any>>
    tpu.enqueue_dma source(%arg15 : memref<512x1024xf32, #tpu.memory_space<vmem>>) target(%dma_start3A_331 : memref<512x1024xf32, #tpu.memory_space<any>>) target_semaphore(%arg31 : memref<!tpu.dma_semaphore, #tpu.memory_space<semaphore_mem>>)
    %dma_start3A_332 = arith.constant 2 : i32
    %dma_start3A_333 = arith.constant 6144 : i32
    %dma_start3A_334 = arith.constant 0 : i32
    %dma_start3A_335 = tpu.memref_slice %arg1[%dma_start3A_332, %dma_start3A_333, %dma_start3A_334] : memref<4x8192x1024xf32, #tpu.memory_space<any>> -> memref<1x512x1024xf32, #tpu.memory_space<any>>
    %dma_start3A_336 = tpu.memref_squeeze %dma_start3A_335 : memref<1x512x1024xf32, #tpu.memory_space<any>> -> memref<512x1024xf32, #tpu.memory_space<any>>
    tpu.enqueue_dma source(%arg15 : memref<512x1024xf32, #tpu.memory_space<vmem>>) target(%dma_start3A_336 : memref<512x1024xf32, #tpu.memory_space<any>>) target_semaphore(%arg31 : memref<!tpu.dma_semaphore, #tpu.memory_space<semaphore_mem>>)
    %dma_start3A_337 = arith.constant 3 : i32
    %dma_start3A_338 = arith.constant 6144 : i32
    %dma_start3A_339 = arith.constant 0 : i32
    %dma_start3A_340 = tpu.memref_slice %arg1[%dma_start3A_337, %dma_start3A_338, %dma_start3A_339] : memref<4x8192x1024xf32, #tpu.memory_space<any>> -> memref<1x512x1024xf32, #tpu.memory_space<any>>
    %dma_start3A_341 = tpu.memref_squeeze %dma_start3A_340 : memref<1x512x1024xf32, #tpu.memory_space<any>> -> memref<512x1024xf32, #tpu.memory_space<any>>
    tpu.enqueue_dma source(%arg15 : memref<512x1024xf32, #tpu.memory_space<vmem>>) target(%dma_start3A_341 : memref<512x1024xf32, #tpu.memory_space<any>>) target_semaphore(%arg31 : memref<!tpu.dma_semaphore, #tpu.memory_space<semaphore_mem>>)
    %dma_wait3A_342 = arith.constant 6656 : i32
    %dma_wait3A_343 = arith.constant 0 : i32
    %dma_wait3A_344 = tpu.memref_slice %arg0[%dma_wait3A_342, %dma_wait3A_343] : memref<8192x1024xf32, #tpu.memory_space<any>> -> memref<512x1024xf32, #tpu.memory_space<any>>
    tpu.wait_dma2 semaphore(%arg30 : memref<!tpu.dma_semaphore, #tpu.memory_space<semaphore_mem>>) src(%dma_wait3A_344 : memref<512x1024xf32, #tpu.memory_space<any>>) dst(%arg16 : memref<512x1024xf32, #tpu.memory_space<vmem>>)
    %dma_start3A_345 = arith.constant 0 : i32
    %dma_start3A_346 = arith.constant 6656 : i32
    %dma_start3A_347 = arith.constant 0 : i32
    %dma_start3A_348 = tpu.memref_slice %arg1[%dma_start3A_345, %dma_start3A_346, %dma_start3A_347] : memref<4x8192x1024xf32, #tpu.memory_space<any>> -> memref<1x512x1024xf32, #tpu.memory_space<any>>
    %dma_start3A_349 = tpu.memref_squeeze %dma_start3A_348 : memref<1x512x1024xf32, #tpu.memory_space<any>> -> memref<512x1024xf32, #tpu.memory_space<any>>
    tpu.enqueue_dma source(%arg16 : memref<512x1024xf32, #tpu.memory_space<vmem>>) target(%dma_start3A_349 : memref<512x1024xf32, #tpu.memory_space<any>>) target_semaphore(%arg31 : memref<!tpu.dma_semaphore, #tpu.memory_space<semaphore_mem>>)
    %dma_start3A_350 = arith.constant 1 : i32
    %dma_start3A_351 = arith.constant 6656 : i32
    %dma_start3A_352 = arith.constant 0 : i32
    %dma_start3A_353 = tpu.memref_slice %arg1[%dma_start3A_350, %dma_start3A_351, %dma_start3A_352] : memref<4x8192x1024xf32, #tpu.memory_space<any>> -> memref<1x512x1024xf32, #tpu.memory_space<any>>
    %dma_start3A_354 = tpu.memref_squeeze %dma_start3A_353 : memref<1x512x1024xf32, #tpu.memory_space<any>> -> memref<512x1024xf32, #tpu.memory_space<any>>
    tpu.enqueue_dma source(%arg16 : memref<512x1024xf32, #tpu.memory_space<vmem>>) target(%dma_start3A_354 : memref<512x1024xf32, #tpu.memory_space<any>>) target_semaphore(%arg31 : memref<!tpu.dma_semaphore, #tpu.memory_space<semaphore_mem>>)
    %dma_start3A_355 = arith.constant 2 : i32
    %dma_start3A_356 = arith.constant 6656 : i32
    %dma_start3A_357 = arith.constant 0 : i32
    %dma_start3A_358 = tpu.memref_slice %arg1[%dma_start3A_355, %dma_start3A_356, %dma_start3A_357] : memref<4x8192x1024xf32, #tpu.memory_space<any>> -> memref<1x512x1024xf32, #tpu.memory_space<any>>
    %dma_start3A_359 = tpu.memref_squeeze %dma_start3A_358 : memref<1x512x1024xf32, #tpu.memory_space<any>> -> memref<512x1024xf32, #tpu.memory_space<any>>
    tpu.enqueue_dma source(%arg16 : memref<512x1024xf32, #tpu.memory_space<vmem>>) target(%dma_start3A_359 : memref<512x1024xf32, #tpu.memory_space<any>>) target_semaphore(%arg31 : memref<!tpu.dma_semaphore, #tpu.memory_space<semaphore_mem>>)
    %dma_start3A_360 = arith.constant 3 : i32
    %dma_start3A_361 = arith.constant 6656 : i32
    %dma_start3A_362 = arith.constant 0 : i32
    %dma_start3A_363 = tpu.memref_slice %arg1[%dma_start3A_360, %dma_start3A_361, %dma_start3A_362] : memref<4x8192x1024xf32, #tpu.memory_space<any>> -> memref<1x512x1024xf32, #tpu.memory_space<any>>
    %dma_start3A_364 = tpu.memref_squeeze %dma_start3A_363 : memref<1x512x1024xf32, #tpu.memory_space<any>> -> memref<512x1024xf32, #tpu.memory_space<any>>
    tpu.enqueue_dma source(%arg16 : memref<512x1024xf32, #tpu.memory_space<vmem>>) target(%dma_start3A_364 : memref<512x1024xf32, #tpu.memory_space<any>>) target_semaphore(%arg31 : memref<!tpu.dma_semaphore, #tpu.memory_space<semaphore_mem>>)
    %dma_wait3A_365 = arith.constant 0 : i32
    %dma_wait3A_366 = arith.constant 0 : i32
    %dma_wait3A_367 = arith.constant 0 : i32
    %dma_wait3A_368 = tpu.memref_slice %arg1[%dma_wait3A_365, %dma_wait3A_366, %dma_wait3A_367] : memref<4x8192x1024xf32, #tpu.memory_space<any>> -> memref<1x512x1024xf32, #tpu.memory_space<any>>
    %dma_wait3A_369 = tpu.memref_squeeze %dma_wait3A_368 : memref<1x512x1024xf32, #tpu.memory_space<any>> -> memref<512x1024xf32, #tpu.memory_space<any>>
    tpu.wait_dma2 semaphore(%arg31 : memref<!tpu.dma_semaphore, #tpu.memory_space<semaphore_mem>>) src(%arg3 : memref<512x1024xf32, #tpu.memory_space<vmem>>) dst(%dma_wait3A_369 : memref<512x1024xf32, #tpu.memory_space<any>>)
    %dma_wait3A_370 = arith.constant 1 : i32
    %dma_wait3A_371 = arith.constant 0 : i32
    %dma_wait3A_372 = arith.constant 0 : i32
    %dma_wait3A_373 = tpu.memref_slice %arg1[%dma_wait3A_370, %dma_wait3A_371, %dma_wait3A_372] : memref<4x8192x1024xf32, #tpu.memory_space<any>> -> memref<1x512x1024xf32, #tpu.memory_space<any>>
    %dma_wait3A_374 = tpu.memref_squeeze %dma_wait3A_373 : memref<1x512x1024xf32, #tpu.memory_space<any>> -> memref<512x1024xf32, #tpu.memory_space<any>>
    tpu.wait_dma2 semaphore(%arg31 : memref<!tpu.dma_semaphore, #tpu.memory_space<semaphore_mem>>) src(%arg3 : memref<512x1024xf32, #tpu.memory_space<vmem>>) dst(%dma_wait3A_374 : memref<512x1024xf32, #tpu.memory_space<any>>)
    %dma_wait3A_375 = arith.constant 2 : i32
    %dma_wait3A_376 = arith.constant 0 : i32
    %dma_wait3A_377 = arith.constant 0 : i32
    %dma_wait3A_378 = tpu.memref_slice %arg1[%dma_wait3A_375, %dma_wait3A_376, %dma_wait3A_377] : memref<4x8192x1024xf32, #tpu.memory_space<any>> -> memref<1x512x1024xf32, #tpu.memory_space<any>>
    %dma_wait3A_379 = tpu.memref_squeeze %dma_wait3A_378 : memref<1x512x1024xf32, #tpu.memory_space<any>> -> memref<512x1024xf32, #tpu.memory_space<any>>
    tpu.wait_dma2 semaphore(%arg31 : memref<!tpu.dma_semaphore, #tpu.memory_space<semaphore_mem>>) src(%arg3 : memref<512x1024xf32, #tpu.memory_space<vmem>>) dst(%dma_wait3A_379 : memref<512x1024xf32, #tpu.memory_space<any>>)
    %dma_wait3A_380 = arith.constant 3 : i32
    %dma_wait3A_381 = arith.constant 0 : i32
    %dma_wait3A_382 = arith.constant 0 : i32
    %dma_wait3A_383 = tpu.memref_slice %arg1[%dma_wait3A_380, %dma_wait3A_381, %dma_wait3A_382] : memref<4x8192x1024xf32, #tpu.memory_space<any>> -> memref<1x512x1024xf32, #tpu.memory_space<any>>
    %dma_wait3A_384 = tpu.memref_squeeze %dma_wait3A_383 : memref<1x512x1024xf32, #tpu.memory_space<any>> -> memref<512x1024xf32, #tpu.memory_space<any>>
    tpu.wait_dma2 semaphore(%arg31 : memref<!tpu.dma_semaphore, #tpu.memory_space<semaphore_mem>>) src(%arg3 : memref<512x1024xf32, #tpu.memory_space<vmem>>) dst(%dma_wait3A_384 : memref<512x1024xf32, #tpu.memory_space<any>>)
    %dma_wait3A_385 = arith.constant 0 : i32
    %dma_wait3A_386 = arith.constant 512 : i32
    %dma_wait3A_387 = arith.constant 0 : i32
    %dma_wait3A_388 = tpu.memref_slice %arg1[%dma_wait3A_385, %dma_wait3A_386, %dma_wait3A_387] : memref<4x8192x1024xf32, #tpu.memory_space<any>> -> memref<1x512x1024xf32, #tpu.memory_space<any>>
    %dma_wait3A_389 = tpu.memref_squeeze %dma_wait3A_388 : memref<1x512x1024xf32, #tpu.memory_space<any>> -> memref<512x1024xf32, #tpu.memory_space<any>>
    tpu.wait_dma2 semaphore(%arg31 : memref<!tpu.dma_semaphore, #tpu.memory_space<semaphore_mem>>) src(%arg4 : memref<512x1024xf32, #tpu.memory_space<vmem>>) dst(%dma_wait3A_389 : memref<512x1024xf32, #tpu.memory_space<any>>)
    %dma_wait3A_390 = arith.constant 1 : i32
    %dma_wait3A_391 = arith.constant 512 : i32
    %dma_wait3A_392 = arith.constant 0 : i32
    %dma_wait3A_393 = tpu.memref_slice %arg1[%dma_wait3A_390, %dma_wait3A_391, %dma_wait3A_392] : memref<4x8192x1024xf32, #tpu.memory_space<any>> -> memref<1x512x1024xf32, #tpu.memory_space<any>>
    %dma_wait3A_394 = tpu.memref_squeeze %dma_wait3A_393 : memref<1x512x1024xf32, #tpu.memory_space<any>> -> memref<512x1024xf32, #tpu.memory_space<any>>
    tpu.wait_dma2 semaphore(%arg31 : memref<!tpu.dma_semaphore, #tpu.memory_space<semaphore_mem>>) src(%arg4 : memref<512x1024xf32, #tpu.memory_space<vmem>>) dst(%dma_wait3A_394 : memref<512x1024xf32, #tpu.memory_space<any>>)
    %dma_wait3A_395 = arith.constant 2 : i32
    %dma_wait3A_396 = arith.constant 512 : i32
    %dma_wait3A_397 = arith.constant 0 : i32
    %dma_wait3A_398 = tpu.memref_slice %arg1[%dma_wait3A_395, %dma_wait3A_396, %dma_wait3A_397] : memref<4x8192x1024xf32, #tpu.memory_space<any>> -> memref<1x512x1024xf32, #tpu.memory_space<any>>
    %dma_wait3A_399 = tpu.memref_squeeze %dma_wait3A_398 : memref<1x512x1024xf32, #tpu.memory_space<any>> -> memref<512x1024xf32, #tpu.memory_space<any>>
    tpu.wait_dma2 semaphore(%arg31 : memref<!tpu.dma_semaphore, #tpu.memory_space<semaphore_mem>>) src(%arg4 : memref<512x1024xf32, #tpu.memory_space<vmem>>) dst(%dma_wait3A_399 : memref<512x1024xf32, #tpu.memory_space<any>>)
    %dma_wait3A_400 = arith.constant 3 : i32
    %dma_wait3A_401 = arith.constant 512 : i32
    %dma_wait3A_402 = arith.constant 0 : i32
    %dma_wait3A_403 = tpu.memref_slice %arg1[%dma_wait3A_400, %dma_wait3A_401, %dma_wait3A_402] : memref<4x8192x1024xf32, #tpu.memory_space<any>> -> memref<1x512x1024xf32, #tpu.memory_space<any>>
    %dma_wait3A_404 = tpu.memref_squeeze %dma_wait3A_403 : memref<1x512x1024xf32, #tpu.memory_space<any>> -> memref<512x1024xf32, #tpu.memory_space<any>>
    tpu.wait_dma2 semaphore(%arg31 : memref<!tpu.dma_semaphore, #tpu.memory_space<semaphore_mem>>) src(%arg4 : memref<512x1024xf32, #tpu.memory_space<vmem>>) dst(%dma_wait3A_404 : memref<512x1024xf32, #tpu.memory_space<any>>)
    %dma_wait3A_405 = arith.constant 0 : i32
    %dma_wait3A_406 = arith.constant 1024 : i32
    %dma_wait3A_407 = arith.constant 0 : i32
    %dma_wait3A_408 = tpu.memref_slice %arg1[%dma_wait3A_405, %dma_wait3A_406, %dma_wait3A_407] : memref<4x8192x1024xf32, #tpu.memory_space<any>> -> memref<1x512x1024xf32, #tpu.memory_space<any>>
    %dma_wait3A_409 = tpu.memref_squeeze %dma_wait3A_408 : memref<1x512x1024xf32, #tpu.memory_space<any>> -> memref<512x1024xf32, #tpu.memory_space<any>>
    tpu.wait_dma2 semaphore(%arg31 : memref<!tpu.dma_semaphore, #tpu.memory_space<semaphore_mem>>) src(%arg5 : memref<512x1024xf32, #tpu.memory_space<vmem>>) dst(%dma_wait3A_409 : memref<512x1024xf32, #tpu.memory_space<any>>)
    %dma_wait3A_410 = arith.constant 1 : i32
    %dma_wait3A_411 = arith.constant 1024 : i32
    %dma_wait3A_412 = arith.constant 0 : i32
    %dma_wait3A_413 = tpu.memref_slice %arg1[%dma_wait3A_410, %dma_wait3A_411, %dma_wait3A_412] : memref<4x8192x1024xf32, #tpu.memory_space<any>> -> memref<1x512x1024xf32, #tpu.memory_space<any>>
    %dma_wait3A_414 = tpu.memref_squeeze %dma_wait3A_413 : memref<1x512x1024xf32, #tpu.memory_space<any>> -> memref<512x1024xf32, #tpu.memory_space<any>>
    tpu.wait_dma2 semaphore(%arg31 : memref<!tpu.dma_semaphore, #tpu.memory_space<semaphore_mem>>) src(%arg5 : memref<512x1024xf32, #tpu.memory_space<vmem>>) dst(%dma_wait3A_414 : memref<512x1024xf32, #tpu.memory_space<any>>)
    %dma_wait3A_415 = arith.constant 2 : i32
    %dma_wait3A_416 = arith.constant 1024 : i32
    %dma_wait3A_417 = arith.constant 0 : i32
    %dma_wait3A_418 = tpu.memref_slice %arg1[%dma_wait3A_415, %dma_wait3A_416, %dma_wait3A_417] : memref<4x8192x1024xf32, #tpu.memory_space<any>> -> memref<1x512x1024xf32, #tpu.memory_space<any>>
    %dma_wait3A_419 = tpu.memref_squeeze %dma_wait3A_418 : memref<1x512x1024xf32, #tpu.memory_space<any>> -> memref<512x1024xf32, #tpu.memory_space<any>>
    tpu.wait_dma2 semaphore(%arg31 : memref<!tpu.dma_semaphore, #tpu.memory_space<semaphore_mem>>) src(%arg5 : memref<512x1024xf32, #tpu.memory_space<vmem>>) dst(%dma_wait3A_419 : memref<512x1024xf32, #tpu.memory_space<any>>)
    %dma_wait3A_420 = arith.constant 3 : i32
    %dma_wait3A_421 = arith.constant 1024 : i32
    %dma_wait3A_422 = arith.constant 0 : i32
    %dma_wait3A_423 = tpu.memref_slice %arg1[%dma_wait3A_420, %dma_wait3A_421, %dma_wait3A_422] : memref<4x8192x1024xf32, #tpu.memory_space<any>> -> memref<1x512x1024xf32, #tpu.memory_space<any>>
    %dma_wait3A_424 = tpu.memref_squeeze %dma_wait3A_423 : memref<1x512x1024xf32, #tpu.memory_space<any>> -> memref<512x1024xf32, #tpu.memory_space<any>>
    tpu.wait_dma2 semaphore(%arg31 : memref<!tpu.dma_semaphore, #tpu.memory_space<semaphore_mem>>) src(%arg5 : memref<512x1024xf32, #tpu.memory_space<vmem>>) dst(%dma_wait3A_424 : memref<512x1024xf32, #tpu.memory_space<any>>)
    %dma_wait3A_425 = arith.constant 0 : i32
    %dma_wait3A_426 = arith.constant 1536 : i32
    %dma_wait3A_427 = arith.constant 0 : i32
    %dma_wait3A_428 = tpu.memref_slice %arg1[%dma_wait3A_425, %dma_wait3A_426, %dma_wait3A_427] : memref<4x8192x1024xf32, #tpu.memory_space<any>> -> memref<1x512x1024xf32, #tpu.memory_space<any>>
    %dma_wait3A_429 = tpu.memref_squeeze %dma_wait3A_428 : memref<1x512x1024xf32, #tpu.memory_space<any>> -> memref<512x1024xf32, #tpu.memory_space<any>>
    tpu.wait_dma2 semaphore(%arg31 : memref<!tpu.dma_semaphore, #tpu.memory_space<semaphore_mem>>) src(%arg6 : memref<512x1024xf32, #tpu.memory_space<vmem>>) dst(%dma_wait3A_429 : memref<512x1024xf32, #tpu.memory_space<any>>)
    %dma_wait3A_430 = arith.constant 1 : i32
    %dma_wait3A_431 = arith.constant 1536 : i32
    %dma_wait3A_432 = arith.constant 0 : i32
    %dma_wait3A_433 = tpu.memref_slice %arg1[%dma_wait3A_430, %dma_wait3A_431, %dma_wait3A_432] : memref<4x8192x1024xf32, #tpu.memory_space<any>> -> memref<1x512x1024xf32, #tpu.memory_space<any>>
    %dma_wait3A_434 = tpu.memref_squeeze %dma_wait3A_433 : memref<1x512x1024xf32, #tpu.memory_space<any>> -> memref<512x1024xf32, #tpu.memory_space<any>>
    tpu.wait_dma2 semaphore(%arg31 : memref<!tpu.dma_semaphore, #tpu.memory_space<semaphore_mem>>) src(%arg6 : memref<512x1024xf32, #tpu.memory_space<vmem>>) dst(%dma_wait3A_434 : memref<512x1024xf32, #tpu.memory_space<any>>)
    %dma_wait3A_435 = arith.constant 2 : i32
    %dma_wait3A_436 = arith.constant 1536 : i32
    %dma_wait3A_437 = arith.constant 0 : i32
    %dma_wait3A_438 = tpu.memref_slice %arg1[%dma_wait3A_435, %dma_wait3A_436, %dma_wait3A_437] : memref<4x8192x1024xf32, #tpu.memory_space<any>> -> memref<1x512x1024xf32, #tpu.memory_space<any>>
    %dma_wait3A_439 = tpu.memref_squeeze %dma_wait3A_438 : memref<1x512x1024xf32, #tpu.memory_space<any>> -> memref<512x1024xf32, #tpu.memory_space<any>>
    tpu.wait_dma2 semaphore(%arg31 : memref<!tpu.dma_semaphore, #tpu.memory_space<semaphore_mem>>) src(%arg6 : memref<512x1024xf32, #tpu.memory_space<vmem>>) dst(%dma_wait3A_439 : memref<512x1024xf32, #tpu.memory_space<any>>)
    %dma_wait3A_440 = arith.constant 3 : i32
    %dma_wait3A_441 = arith.constant 1536 : i32
    %dma_wait3A_442 = arith.constant 0 : i32
    %dma_wait3A_443 = tpu.memref_slice %arg1[%dma_wait3A_440, %dma_wait3A_441, %dma_wait3A_442] : memref<4x8192x1024xf32, #tpu.memory_space<any>> -> memref<1x512x1024xf32, #tpu.memory_space<any>>
    %dma_wait3A_444 = tpu.memref_squeeze %dma_wait3A_443 : memref<1x512x1024xf32, #tpu.memory_space<any>> -> memref<512x1024xf32, #tpu.memory_space<any>>
    tpu.wait_dma2 semaphore(%arg31 : memref<!tpu.dma_semaphore, #tpu.memory_space<semaphore_mem>>) src(%arg6 : memref<512x1024xf32, #tpu.memory_space<vmem>>) dst(%dma_wait3A_444 : memref<512x1024xf32, #tpu.memory_space<any>>)
    %dma_wait3A_445 = arith.constant 0 : i32
    %dma_wait3A_446 = arith.constant 2048 : i32
    %dma_wait3A_447 = arith.constant 0 : i32
    %dma_wait3A_448 = tpu.memref_slice %arg1[%dma_wait3A_445, %dma_wait3A_446, %dma_wait3A_447] : memref<4x8192x1024xf32, #tpu.memory_space<any>> -> memref<1x512x1024xf32, #tpu.memory_space<any>>
    %dma_wait3A_449 = tpu.memref_squeeze %dma_wait3A_448 : memref<1x512x1024xf32, #tpu.memory_space<any>> -> memref<512x1024xf32, #tpu.memory_space<any>>
    tpu.wait_dma2 semaphore(%arg31 : memref<!tpu.dma_semaphore, #tpu.memory_space<semaphore_mem>>) src(%arg7 : memref<512x1024xf32, #tpu.memory_space<vmem>>) dst(%dma_wait3A_449 : memref<512x1024xf32, #tpu.memory_space<any>>)
    %dma_wait3A_450 = arith.constant 1 : i32
    %dma_wait3A_451 = arith.constant 2048 : i32
    %dma_wait3A_452 = arith.constant 0 : i32
    %dma_wait3A_453 = tpu.memref_slice %arg1[%dma_wait3A_450, %dma_wait3A_451, %dma_wait3A_452] : memref<4x8192x1024xf32, #tpu.memory_space<any>> -> memref<1x512x1024xf32, #tpu.memory_space<any>>
    %dma_wait3A_454 = tpu.memref_squeeze %dma_wait3A_453 : memref<1x512x1024xf32, #tpu.memory_space<any>> -> memref<512x1024xf32, #tpu.memory_space<any>>
    tpu.wait_dma2 semaphore(%arg31 : memref<!tpu.dma_semaphore, #tpu.memory_space<semaphore_mem>>) src(%arg7 : memref<512x1024xf32, #tpu.memory_space<vmem>>) dst(%dma_wait3A_454 : memref<512x1024xf32, #tpu.memory_space<any>>)
    %dma_wait3A_455 = arith.constant 2 : i32
    %dma_wait3A_456 = arith.constant 2048 : i32
    %dma_wait3A_457 = arith.constant 0 : i32
    %dma_wait3A_458 = tpu.memref_slice %arg1[%dma_wait3A_455, %dma_wait3A_456, %dma_wait3A_457] : memref<4x8192x1024xf32, #tpu.memory_space<any>> -> memref<1x512x1024xf32, #tpu.memory_space<any>>
    %dma_wait3A_459 = tpu.memref_squeeze %dma_wait3A_458 : memref<1x512x1024xf32, #tpu.memory_space<any>> -> memref<512x1024xf32, #tpu.memory_space<any>>
    tpu.wait_dma2 semaphore(%arg31 : memref<!tpu.dma_semaphore, #tpu.memory_space<semaphore_mem>>) src(%arg7 : memref<512x1024xf32, #tpu.memory_space<vmem>>) dst(%dma_wait3A_459 : memref<512x1024xf32, #tpu.memory_space<any>>)
    %dma_wait3A_460 = arith.constant 3 : i32
    %dma_wait3A_461 = arith.constant 2048 : i32
    %dma_wait3A_462 = arith.constant 0 : i32
    %dma_wait3A_463 = tpu.memref_slice %arg1[%dma_wait3A_460, %dma_wait3A_461, %dma_wait3A_462] : memref<4x8192x1024xf32, #tpu.memory_space<any>> -> memref<1x512x1024xf32, #tpu.memory_space<any>>
    %dma_wait3A_464 = tpu.memref_squeeze %dma_wait3A_463 : memref<1x512x1024xf32, #tpu.memory_space<any>> -> memref<512x1024xf32, #tpu.memory_space<any>>
    tpu.wait_dma2 semaphore(%arg31 : memref<!tpu.dma_semaphore, #tpu.memory_space<semaphore_mem>>) src(%arg7 : memref<512x1024xf32, #tpu.memory_space<vmem>>) dst(%dma_wait3A_464 : memref<512x1024xf32, #tpu.memory_space<any>>)
    %dma_wait3A_465 = arith.constant 0 : i32
    %dma_wait3A_466 = arith.constant 2560 : i32
    %dma_wait3A_467 = arith.constant 0 : i32
    %dma_wait3A_468 = tpu.memref_slice %arg1[%dma_wait3A_465, %dma_wait3A_466, %dma_wait3A_467] : memref<4x8192x1024xf32, #tpu.memory_space<any>> -> memref<1x512x1024xf32, #tpu.memory_space<any>>
    %dma_wait3A_469 = tpu.memref_squeeze %dma_wait3A_468 : memref<1x512x1024xf32, #tpu.memory_space<any>> -> memref<512x1024xf32, #tpu.memory_space<any>>
    tpu.wait_dma2 semaphore(%arg31 : memref<!tpu.dma_semaphore, #tpu.memory_space<semaphore_mem>>) src(%arg8 : memref<512x1024xf32, #tpu.memory_space<vmem>>) dst(%dma_wait3A_469 : memref<512x1024xf32, #tpu.memory_space<any>>)
    %dma_wait3A_470 = arith.constant 1 : i32
    %dma_wait3A_471 = arith.constant 2560 : i32
    %dma_wait3A_472 = arith.constant 0 : i32
    %dma_wait3A_473 = tpu.memref_slice %arg1[%dma_wait3A_470, %dma_wait3A_471, %dma_wait3A_472] : memref<4x8192x1024xf32, #tpu.memory_space<any>> -> memref<1x512x1024xf32, #tpu.memory_space<any>>
    %dma_wait3A_474 = tpu.memref_squeeze %dma_wait3A_473 : memref<1x512x1024xf32, #tpu.memory_space<any>> -> memref<512x1024xf32, #tpu.memory_space<any>>
    tpu.wait_dma2 semaphore(%arg31 : memref<!tpu.dma_semaphore, #tpu.memory_space<semaphore_mem>>) src(%arg8 : memref<512x1024xf32, #tpu.memory_space<vmem>>) dst(%dma_wait3A_474 : memref<512x1024xf32, #tpu.memory_space<any>>)
    %dma_wait3A_475 = arith.constant 2 : i32
    %dma_wait3A_476 = arith.constant 2560 : i32
    %dma_wait3A_477 = arith.constant 0 : i32
    %dma_wait3A_478 = tpu.memref_slice %arg1[%dma_wait3A_475, %dma_wait3A_476, %dma_wait3A_477] : memref<4x8192x1024xf32, #tpu.memory_space<any>> -> memref<1x512x1024xf32, #tpu.memory_space<any>>
    %dma_wait3A_479 = tpu.memref_squeeze %dma_wait3A_478 : memref<1x512x1024xf32, #tpu.memory_space<any>> -> memref<512x1024xf32, #tpu.memory_space<any>>
    tpu.wait_dma2 semaphore(%arg31 : memref<!tpu.dma_semaphore, #tpu.memory_space<semaphore_mem>>) src(%arg8 : memref<512x1024xf32, #tpu.memory_space<vmem>>) dst(%dma_wait3A_479 : memref<512x1024xf32, #tpu.memory_space<any>>)
    %dma_wait3A_480 = arith.constant 3 : i32
    %dma_wait3A_481 = arith.constant 2560 : i32
    %dma_wait3A_482 = arith.constant 0 : i32
    %dma_wait3A_483 = tpu.memref_slice %arg1[%dma_wait3A_480, %dma_wait3A_481, %dma_wait3A_482] : memref<4x8192x1024xf32, #tpu.memory_space<any>> -> memref<1x512x1024xf32, #tpu.memory_space<any>>
    %dma_wait3A_484 = tpu.memref_squeeze %dma_wait3A_483 : memref<1x512x1024xf32, #tpu.memory_space<any>> -> memref<512x1024xf32, #tpu.memory_space<any>>
    tpu.wait_dma2 semaphore(%arg31 : memref<!tpu.dma_semaphore, #tpu.memory_space<semaphore_mem>>) src(%arg8 : memref<512x1024xf32, #tpu.memory_space<vmem>>) dst(%dma_wait3A_484 : memref<512x1024xf32, #tpu.memory_space<any>>)
    %dma_wait3A_485 = arith.constant 0 : i32
    %dma_wait3A_486 = arith.constant 3072 : i32
    %dma_wait3A_487 = arith.constant 0 : i32
    %dma_wait3A_488 = tpu.memref_slice %arg1[%dma_wait3A_485, %dma_wait3A_486, %dma_wait3A_487] : memref<4x8192x1024xf32, #tpu.memory_space<any>> -> memref<1x512x1024xf32, #tpu.memory_space<any>>
    %dma_wait3A_489 = tpu.memref_squeeze %dma_wait3A_488 : memref<1x512x1024xf32, #tpu.memory_space<any>> -> memref<512x1024xf32, #tpu.memory_space<any>>
    tpu.wait_dma2 semaphore(%arg31 : memref<!tpu.dma_semaphore, #tpu.memory_space<semaphore_mem>>) src(%arg9 : memref<512x1024xf32, #tpu.memory_space<vmem>>) dst(%dma_wait3A_489 : memref<512x1024xf32, #tpu.memory_space<any>>)
    %dma_wait3A_490 = arith.constant 1 : i32
    %dma_wait3A_491 = arith.constant 3072 : i32
    %dma_wait3A_492 = arith.constant 0 : i32
    %dma_wait3A_493 = tpu.memref_slice %arg1[%dma_wait3A_490, %dma_wait3A_491, %dma_wait3A_492] : memref<4x8192x1024xf32, #tpu.memory_space<any>> -> memref<1x512x1024xf32, #tpu.memory_space<any>>
    %dma_wait3A_494 = tpu.memref_squeeze %dma_wait3A_493 : memref<1x512x1024xf32, #tpu.memory_space<any>> -> memref<512x1024xf32, #tpu.memory_space<any>>
    tpu.wait_dma2 semaphore(%arg31 : memref<!tpu.dma_semaphore, #tpu.memory_space<semaphore_mem>>) src(%arg9 : memref<512x1024xf32, #tpu.memory_space<vmem>>) dst(%dma_wait3A_494 : memref<512x1024xf32, #tpu.memory_space<any>>)
    %dma_wait3A_495 = arith.constant 2 : i32
    %dma_wait3A_496 = arith.constant 3072 : i32
    %dma_wait3A_497 = arith.constant 0 : i32
    %dma_wait3A_498 = tpu.memref_slice %arg1[%dma_wait3A_495, %dma_wait3A_496, %dma_wait3A_497] : memref<4x8192x1024xf32, #tpu.memory_space<any>> -> memref<1x512x1024xf32, #tpu.memory_space<any>>
    %dma_wait3A_499 = tpu.memref_squeeze %dma_wait3A_498 : memref<1x512x1024xf32, #tpu.memory_space<any>> -> memref<512x1024xf32, #tpu.memory_space<any>>
    tpu.wait_dma2 semaphore(%arg31 : memref<!tpu.dma_semaphore, #tpu.memory_space<semaphore_mem>>) src(%arg9 : memref<512x1024xf32, #tpu.memory_space<vmem>>) dst(%dma_wait3A_499 : memref<512x1024xf32, #tpu.memory_space<any>>)
    %dma_wait3A_500 = arith.constant 3 : i32
    %dma_wait3A_501 = arith.constant 3072 : i32
    %dma_wait3A_502 = arith.constant 0 : i32
    %dma_wait3A_503 = tpu.memref_slice %arg1[%dma_wait3A_500, %dma_wait3A_501, %dma_wait3A_502] : memref<4x8192x1024xf32, #tpu.memory_space<any>> -> memref<1x512x1024xf32, #tpu.memory_space<any>>
    %dma_wait3A_504 = tpu.memref_squeeze %dma_wait3A_503 : memref<1x512x1024xf32, #tpu.memory_space<any>> -> memref<512x1024xf32, #tpu.memory_space<any>>
    tpu.wait_dma2 semaphore(%arg31 : memref<!tpu.dma_semaphore, #tpu.memory_space<semaphore_mem>>) src(%arg9 : memref<512x1024xf32, #tpu.memory_space<vmem>>) dst(%dma_wait3A_504 : memref<512x1024xf32, #tpu.memory_space<any>>)
    %dma_wait3A_505 = arith.constant 0 : i32
    %dma_wait3A_506 = arith.constant 3584 : i32
    %dma_wait3A_507 = arith.constant 0 : i32
    %dma_wait3A_508 = tpu.memref_slice %arg1[%dma_wait3A_505, %dma_wait3A_506, %dma_wait3A_507] : memref<4x8192x1024xf32, #tpu.memory_space<any>> -> memref<1x512x1024xf32, #tpu.memory_space<any>>
    %dma_wait3A_509 = tpu.memref_squeeze %dma_wait3A_508 : memref<1x512x1024xf32, #tpu.memory_space<any>> -> memref<512x1024xf32, #tpu.memory_space<any>>
    tpu.wait_dma2 semaphore(%arg31 : memref<!tpu.dma_semaphore, #tpu.memory_space<semaphore_mem>>) src(%arg10 : memref<512x1024xf32, #tpu.memory_space<vmem>>) dst(%dma_wait3A_509 : memref<512x1024xf32, #tpu.memory_space<any>>)
    %dma_wait3A_510 = arith.constant 1 : i32
    %dma_wait3A_511 = arith.constant 3584 : i32
    %dma_wait3A_512 = arith.constant 0 : i32
    %dma_wait3A_513 = tpu.memref_slice %arg1[%dma_wait3A_510, %dma_wait3A_511, %dma_wait3A_512] : memref<4x8192x1024xf32, #tpu.memory_space<any>> -> memref<1x512x1024xf32, #tpu.memory_space<any>>
    %dma_wait3A_514 = tpu.memref_squeeze %dma_wait3A_513 : memref<1x512x1024xf32, #tpu.memory_space<any>> -> memref<512x1024xf32, #tpu.memory_space<any>>
    tpu.wait_dma2 semaphore(%arg31 : memref<!tpu.dma_semaphore, #tpu.memory_space<semaphore_mem>>) src(%arg10 : memref<512x1024xf32, #tpu.memory_space<vmem>>) dst(%dma_wait3A_514 : memref<512x1024xf32, #tpu.memory_space<any>>)
    %dma_wait3A_515 = arith.constant 2 : i32
    %dma_wait3A_516 = arith.constant 3584 : i32
    %dma_wait3A_517 = arith.constant 0 : i32
    %dma_wait3A_518 = tpu.memref_slice %arg1[%dma_wait3A_515, %dma_wait3A_516, %dma_wait3A_517] : memref<4x8192x1024xf32, #tpu.memory_space<any>> -> memref<1x512x1024xf32, #tpu.memory_space<any>>
    %dma_wait3A_519 = tpu.memref_squeeze %dma_wait3A_518 : memref<1x512x1024xf32, #tpu.memory_space<any>> -> memref<512x1024xf32, #tpu.memory_space<any>>
    tpu.wait_dma2 semaphore(%arg31 : memref<!tpu.dma_semaphore, #tpu.memory_space<semaphore_mem>>) src(%arg10 : memref<512x1024xf32, #tpu.memory_space<vmem>>) dst(%dma_wait3A_519 : memref<512x1024xf32, #tpu.memory_space<any>>)
    %dma_wait3A_520 = arith.constant 3 : i32
    %dma_wait3A_521 = arith.constant 3584 : i32
    %dma_wait3A_522 = arith.constant 0 : i32
    %dma_wait3A_523 = tpu.memref_slice %arg1[%dma_wait3A_520, %dma_wait3A_521, %dma_wait3A_522] : memref<4x8192x1024xf32, #tpu.memory_space<any>> -> memref<1x512x1024xf32, #tpu.memory_space<any>>
    %dma_wait3A_524 = tpu.memref_squeeze %dma_wait3A_523 : memref<1x512x1024xf32, #tpu.memory_space<any>> -> memref<512x1024xf32, #tpu.memory_space<any>>
    tpu.wait_dma2 semaphore(%arg31 : memref<!tpu.dma_semaphore, #tpu.memory_space<semaphore_mem>>) src(%arg10 : memref<512x1024xf32, #tpu.memory_space<vmem>>) dst(%dma_wait3A_524 : memref<512x1024xf32, #tpu.memory_space<any>>)
    %dma_wait3A_525 = arith.constant 0 : i32
    %dma_wait3A_526 = arith.constant 4096 : i32
    %dma_wait3A_527 = arith.constant 0 : i32
    %dma_wait3A_528 = tpu.memref_slice %arg1[%dma_wait3A_525, %dma_wait3A_526, %dma_wait3A_527] : memref<4x8192x1024xf32, #tpu.memory_space<any>> -> memref<1x512x1024xf32, #tpu.memory_space<any>>
    %dma_wait3A_529 = tpu.memref_squeeze %dma_wait3A_528 : memref<1x512x1024xf32, #tpu.memory_space<any>> -> memref<512x1024xf32, #tpu.memory_space<any>>
    tpu.wait_dma2 semaphore(%arg31 : memref<!tpu.dma_semaphore, #tpu.memory_space<semaphore_mem>>) src(%arg11 : memref<512x1024xf32, #tpu.memory_space<vmem>>) dst(%dma_wait3A_529 : memref<512x1024xf32, #tpu.memory_space<any>>)
    %dma_wait3A_530 = arith.constant 1 : i32
    %dma_wait3A_531 = arith.constant 4096 : i32
    %dma_wait3A_532 = arith.constant 0 : i32
    %dma_wait3A_533 = tpu.memref_slice %arg1[%dma_wait3A_530, %dma_wait3A_531, %dma_wait3A_532] : memref<4x8192x1024xf32, #tpu.memory_space<any>> -> memref<1x512x1024xf32, #tpu.memory_space<any>>
    %dma_wait3A_534 = tpu.memref_squeeze %dma_wait3A_533 : memref<1x512x1024xf32, #tpu.memory_space<any>> -> memref<512x1024xf32, #tpu.memory_space<any>>
    tpu.wait_dma2 semaphore(%arg31 : memref<!tpu.dma_semaphore, #tpu.memory_space<semaphore_mem>>) src(%arg11 : memref<512x1024xf32, #tpu.memory_space<vmem>>) dst(%dma_wait3A_534 : memref<512x1024xf32, #tpu.memory_space<any>>)
    %dma_wait3A_535 = arith.constant 2 : i32
    %dma_wait3A_536 = arith.constant 4096 : i32
    %dma_wait3A_537 = arith.constant 0 : i32
    %dma_wait3A_538 = tpu.memref_slice %arg1[%dma_wait3A_535, %dma_wait3A_536, %dma_wait3A_537] : memref<4x8192x1024xf32, #tpu.memory_space<any>> -> memref<1x512x1024xf32, #tpu.memory_space<any>>
    %dma_wait3A_539 = tpu.memref_squeeze %dma_wait3A_538 : memref<1x512x1024xf32, #tpu.memory_space<any>> -> memref<512x1024xf32, #tpu.memory_space<any>>
    tpu.wait_dma2 semaphore(%arg31 : memref<!tpu.dma_semaphore, #tpu.memory_space<semaphore_mem>>) src(%arg11 : memref<512x1024xf32, #tpu.memory_space<vmem>>) dst(%dma_wait3A_539 : memref<512x1024xf32, #tpu.memory_space<any>>)
    %dma_wait3A_540 = arith.constant 3 : i32
    %dma_wait3A_541 = arith.constant 4096 : i32
    %dma_wait3A_542 = arith.constant 0 : i32
    %dma_wait3A_543 = tpu.memref_slice %arg1[%dma_wait3A_540, %dma_wait3A_541, %dma_wait3A_542] : memref<4x8192x1024xf32, #tpu.memory_space<any>> -> memref<1x512x1024xf32, #tpu.memory_space<any>>
    %dma_wait3A_544 = tpu.memref_squeeze %dma_wait3A_543 : memref<1x512x1024xf32, #tpu.memory_space<any>> -> memref<512x1024xf32, #tpu.memory_space<any>>
    tpu.wait_dma2 semaphore(%arg31 : memref<!tpu.dma_semaphore, #tpu.memory_space<semaphore_mem>>) src(%arg11 : memref<512x1024xf32, #tpu.memory_space<vmem>>) dst(%dma_wait3A_544 : memref<512x1024xf32, #tpu.memory_space<any>>)
    %dma_wait3A_545 = arith.constant 0 : i32
    %dma_wait3A_546 = arith.constant 4608 : i32
    %dma_wait3A_547 = arith.constant 0 : i32
    %dma_wait3A_548 = tpu.memref_slice %arg1[%dma_wait3A_545, %dma_wait3A_546, %dma_wait3A_547] : memref<4x8192x1024xf32, #tpu.memory_space<any>> -> memref<1x512x1024xf32, #tpu.memory_space<any>>
    %dma_wait3A_549 = tpu.memref_squeeze %dma_wait3A_548 : memref<1x512x1024xf32, #tpu.memory_space<any>> -> memref<512x1024xf32, #tpu.memory_space<any>>
    tpu.wait_dma2 semaphore(%arg31 : memref<!tpu.dma_semaphore, #tpu.memory_space<semaphore_mem>>) src(%arg12 : memref<512x1024xf32, #tpu.memory_space<vmem>>) dst(%dma_wait3A_549 : memref<512x1024xf32, #tpu.memory_space<any>>)
    %dma_wait3A_550 = arith.constant 1 : i32
    %dma_wait3A_551 = arith.constant 4608 : i32
    %dma_wait3A_552 = arith.constant 0 : i32
    %dma_wait3A_553 = tpu.memref_slice %arg1[%dma_wait3A_550, %dma_wait3A_551, %dma_wait3A_552] : memref<4x8192x1024xf32, #tpu.memory_space<any>> -> memref<1x512x1024xf32, #tpu.memory_space<any>>
    %dma_wait3A_554 = tpu.memref_squeeze %dma_wait3A_553 : memref<1x512x1024xf32, #tpu.memory_space<any>> -> memref<512x1024xf32, #tpu.memory_space<any>>
    tpu.wait_dma2 semaphore(%arg31 : memref<!tpu.dma_semaphore, #tpu.memory_space<semaphore_mem>>) src(%arg12 : memref<512x1024xf32, #tpu.memory_space<vmem>>) dst(%dma_wait3A_554 : memref<512x1024xf32, #tpu.memory_space<any>>)
    %dma_wait3A_555 = arith.constant 2 : i32
    %dma_wait3A_556 = arith.constant 4608 : i32
    %dma_wait3A_557 = arith.constant 0 : i32
    %dma_wait3A_558 = tpu.memref_slice %arg1[%dma_wait3A_555, %dma_wait3A_556, %dma_wait3A_557] : memref<4x8192x1024xf32, #tpu.memory_space<any>> -> memref<1x512x1024xf32, #tpu.memory_space<any>>
    %dma_wait3A_559 = tpu.memref_squeeze %dma_wait3A_558 : memref<1x512x1024xf32, #tpu.memory_space<any>> -> memref<512x1024xf32, #tpu.memory_space<any>>
    tpu.wait_dma2 semaphore(%arg31 : memref<!tpu.dma_semaphore, #tpu.memory_space<semaphore_mem>>) src(%arg12 : memref<512x1024xf32, #tpu.memory_space<vmem>>) dst(%dma_wait3A_559 : memref<512x1024xf32, #tpu.memory_space<any>>)
    %dma_wait3A_560 = arith.constant 3 : i32
    %dma_wait3A_561 = arith.constant 4608 : i32
    %dma_wait3A_562 = arith.constant 0 : i32
    %dma_wait3A_563 = tpu.memref_slice %arg1[%dma_wait3A_560, %dma_wait3A_561, %dma_wait3A_562] : memref<4x8192x1024xf32, #tpu.memory_space<any>> -> memref<1x512x1024xf32, #tpu.memory_space<any>>
    %dma_wait3A_564 = tpu.memref_squeeze %dma_wait3A_563 : memref<1x512x1024xf32, #tpu.memory_space<any>> -> memref<512x1024xf32, #tpu.memory_space<any>>
    tpu.wait_dma2 semaphore(%arg31 : memref<!tpu.dma_semaphore, #tpu.memory_space<semaphore_mem>>) src(%arg12 : memref<512x1024xf32, #tpu.memory_space<vmem>>) dst(%dma_wait3A_564 : memref<512x1024xf32, #tpu.memory_space<any>>)
    %dma_wait3A_565 = arith.constant 0 : i32
    %dma_wait3A_566 = arith.constant 5120 : i32
    %dma_wait3A_567 = arith.constant 0 : i32
    %dma_wait3A_568 = tpu.memref_slice %arg1[%dma_wait3A_565, %dma_wait3A_566, %dma_wait3A_567] : memref<4x8192x1024xf32, #tpu.memory_space<any>> -> memref<1x512x1024xf32, #tpu.memory_space<any>>
    %dma_wait3A_569 = tpu.memref_squeeze %dma_wait3A_568 : memref<1x512x1024xf32, #tpu.memory_space<any>> -> memref<512x1024xf32, #tpu.memory_space<any>>
    tpu.wait_dma2 semaphore(%arg31 : memref<!tpu.dma_semaphore, #tpu.memory_space<semaphore_mem>>) src(%arg13 : memref<512x1024xf32, #tpu.memory_space<vmem>>) dst(%dma_wait3A_569 : memref<512x1024xf32, #tpu.memory_space<any>>)
    %dma_wait3A_570 = arith.constant 1 : i32
    %dma_wait3A_571 = arith.constant 5120 : i32
    %dma_wait3A_572 = arith.constant 0 : i32
    %dma_wait3A_573 = tpu.memref_slice %arg1[%dma_wait3A_570, %dma_wait3A_571, %dma_wait3A_572] : memref<4x8192x1024xf32, #tpu.memory_space<any>> -> memref<1x512x1024xf32, #tpu.memory_space<any>>
    %dma_wait3A_574 = tpu.memref_squeeze %dma_wait3A_573 : memref<1x512x1024xf32, #tpu.memory_space<any>> -> memref<512x1024xf32, #tpu.memory_space<any>>
    tpu.wait_dma2 semaphore(%arg31 : memref<!tpu.dma_semaphore, #tpu.memory_space<semaphore_mem>>) src(%arg13 : memref<512x1024xf32, #tpu.memory_space<vmem>>) dst(%dma_wait3A_574 : memref<512x1024xf32, #tpu.memory_space<any>>)
    %dma_wait3A_575 = arith.constant 2 : i32
    %dma_wait3A_576 = arith.constant 5120 : i32
    %dma_wait3A_577 = arith.constant 0 : i32
    %dma_wait3A_578 = tpu.memref_slice %arg1[%dma_wait3A_575, %dma_wait3A_576, %dma_wait3A_577] : memref<4x8192x1024xf32, #tpu.memory_space<any>> -> memref<1x512x1024xf32, #tpu.memory_space<any>>
    %dma_wait3A_579 = tpu.memref_squeeze %dma_wait3A_578 : memref<1x512x1024xf32, #tpu.memory_space<any>> -> memref<512x1024xf32, #tpu.memory_space<any>>
    tpu.wait_dma2 semaphore(%arg31 : memref<!tpu.dma_semaphore, #tpu.memory_space<semaphore_mem>>) src(%arg13 : memref<512x1024xf32, #tpu.memory_space<vmem>>) dst(%dma_wait3A_579 : memref<512x1024xf32, #tpu.memory_space<any>>)
    %dma_wait3A_580 = arith.constant 3 : i32
    %dma_wait3A_581 = arith.constant 5120 : i32
    %dma_wait3A_582 = arith.constant 0 : i32
    %dma_wait3A_583 = tpu.memref_slice %arg1[%dma_wait3A_580, %dma_wait3A_581, %dma_wait3A_582] : memref<4x8192x1024xf32, #tpu.memory_space<any>> -> memref<1x512x1024xf32, #tpu.memory_space<any>>
    %dma_wait3A_584 = tpu.memref_squeeze %dma_wait3A_583 : memref<1x512x1024xf32, #tpu.memory_space<any>> -> memref<512x1024xf32, #tpu.memory_space<any>>
    tpu.wait_dma2 semaphore(%arg31 : memref<!tpu.dma_semaphore, #tpu.memory_space<semaphore_mem>>) src(%arg13 : memref<512x1024xf32, #tpu.memory_space<vmem>>) dst(%dma_wait3A_584 : memref<512x1024xf32, #tpu.memory_space<any>>)
    %dma_wait3A_585 = arith.constant 0 : i32
    %dma_wait3A_586 = arith.constant 5632 : i32
    %dma_wait3A_587 = arith.constant 0 : i32
    %dma_wait3A_588 = tpu.memref_slice %arg1[%dma_wait3A_585, %dma_wait3A_586, %dma_wait3A_587] : memref<4x8192x1024xf32, #tpu.memory_space<any>> -> memref<1x512x1024xf32, #tpu.memory_space<any>>
    %dma_wait3A_589 = tpu.memref_squeeze %dma_wait3A_588 : memref<1x512x1024xf32, #tpu.memory_space<any>> -> memref<512x1024xf32, #tpu.memory_space<any>>
    tpu.wait_dma2 semaphore(%arg31 : memref<!tpu.dma_semaphore, #tpu.memory_space<semaphore_mem>>) src(%arg14 : memref<512x1024xf32, #tpu.memory_space<vmem>>) dst(%dma_wait3A_589 : memref<512x1024xf32, #tpu.memory_space<any>>)
    %dma_wait3A_590 = arith.constant 1 : i32
    %dma_wait3A_591 = arith.constant 5632 : i32
    %dma_wait3A_592 = arith.constant 0 : i32
    %dma_wait3A_593 = tpu.memref_slice %arg1[%dma_wait3A_590, %dma_wait3A_591, %dma_wait3A_592] : memref<4x8192x1024xf32, #tpu.memory_space<any>> -> memref<1x512x1024xf32, #tpu.memory_space<any>>
    %dma_wait3A_594 = tpu.memref_squeeze %dma_wait3A_593 : memref<1x512x1024xf32, #tpu.memory_space<any>> -> memref<512x1024xf32, #tpu.memory_space<any>>
    tpu.wait_dma2 semaphore(%arg31 : memref<!tpu.dma_semaphore, #tpu.memory_space<semaphore_mem>>) src(%arg14 : memref<512x1024xf32, #tpu.memory_space<vmem>>) dst(%dma_wait3A_594 : memref<512x1024xf32, #tpu.memory_space<any>>)
    %dma_wait3A_595 = arith.constant 2 : i32
    %dma_wait3A_596 = arith.constant 5632 : i32
    %dma_wait3A_597 = arith.constant 0 : i32
    %dma_wait3A_598 = tpu.memref_slice %arg1[%dma_wait3A_595, %dma_wait3A_596, %dma_wait3A_597] : memref<4x8192x1024xf32, #tpu.memory_space<any>> -> memref<1x512x1024xf32, #tpu.memory_space<any>>
    %dma_wait3A_599 = tpu.memref_squeeze %dma_wait3A_598 : memref<1x512x1024xf32, #tpu.memory_space<any>> -> memref<512x1024xf32, #tpu.memory_space<any>>
    tpu.wait_dma2 semaphore(%arg31 : memref<!tpu.dma_semaphore, #tpu.memory_space<semaphore_mem>>) src(%arg14 : memref<512x1024xf32, #tpu.memory_space<vmem>>) dst(%dma_wait3A_599 : memref<512x1024xf32, #tpu.memory_space<any>>)
    %dma_wait3A_600 = arith.constant 3 : i32
    %dma_wait3A_601 = arith.constant 5632 : i32
    %dma_wait3A_602 = arith.constant 0 : i32
    %dma_wait3A_603 = tpu.memref_slice %arg1[%dma_wait3A_600, %dma_wait3A_601, %dma_wait3A_602] : memref<4x8192x1024xf32, #tpu.memory_space<any>> -> memref<1x512x1024xf32, #tpu.memory_space<any>>
    %dma_wait3A_604 = tpu.memref_squeeze %dma_wait3A_603 : memref<1x512x1024xf32, #tpu.memory_space<any>> -> memref<512x1024xf32, #tpu.memory_space<any>>
    tpu.wait_dma2 semaphore(%arg31 : memref<!tpu.dma_semaphore, #tpu.memory_space<semaphore_mem>>) src(%arg14 : memref<512x1024xf32, #tpu.memory_space<vmem>>) dst(%dma_wait3A_604 : memref<512x1024xf32, #tpu.memory_space<any>>)
    %dma_wait3A_605 = arith.constant 0 : i32
    %dma_wait3A_606 = arith.constant 6144 : i32
    %dma_wait3A_607 = arith.constant 0 : i32
    %dma_wait3A_608 = tpu.memref_slice %arg1[%dma_wait3A_605, %dma_wait3A_606, %dma_wait3A_607] : memref<4x8192x1024xf32, #tpu.memory_space<any>> -> memref<1x512x1024xf32, #tpu.memory_space<any>>
    %dma_wait3A_609 = tpu.memref_squeeze %dma_wait3A_608 : memref<1x512x1024xf32, #tpu.memory_space<any>> -> memref<512x1024xf32, #tpu.memory_space<any>>
    tpu.wait_dma2 semaphore(%arg31 : memref<!tpu.dma_semaphore, #tpu.memory_space<semaphore_mem>>) src(%arg15 : memref<512x1024xf32, #tpu.memory_space<vmem>>) dst(%dma_wait3A_609 : memref<512x1024xf32, #tpu.memory_space<any>>)
    %dma_wait3A_610 = arith.constant 1 : i32
    %dma_wait3A_611 = arith.constant 6144 : i32
    %dma_wait3A_612 = arith.constant 0 : i32
    %dma_wait3A_613 = tpu.memref_slice %arg1[%dma_wait3A_610, %dma_wait3A_611, %dma_wait3A_612] : memref<4x8192x1024xf32, #tpu.memory_space<any>> -> memref<1x512x1024xf32, #tpu.memory_space<any>>
    %dma_wait3A_614 = tpu.memref_squeeze %dma_wait3A_613 : memref<1x512x1024xf32, #tpu.memory_space<any>> -> memref<512x1024xf32, #tpu.memory_space<any>>
    tpu.wait_dma2 semaphore(%arg31 : memref<!tpu.dma_semaphore, #tpu.memory_space<semaphore_mem>>) src(%arg15 : memref<512x1024xf32, #tpu.memory_space<vmem>>) dst(%dma_wait3A_614 : memref<512x1024xf32, #tpu.memory_space<any>>)
    %dma_wait3A_615 = arith.constant 2 : i32
    %dma_wait3A_616 = arith.constant 6144 : i32
    %dma_wait3A_617 = arith.constant 0 : i32
    %dma_wait3A_618 = tpu.memref_slice %arg1[%dma_wait3A_615, %dma_wait3A_616, %dma_wait3A_617] : memref<4x8192x1024xf32, #tpu.memory_space<any>> -> memref<1x512x1024xf32, #tpu.memory_space<any>>
    %dma_wait3A_619 = tpu.memref_squeeze %dma_wait3A_618 : memref<1x512x1024xf32, #tpu.memory_space<any>> -> memref<512x1024xf32, #tpu.memory_space<any>>
    tpu.wait_dma2 semaphore(%arg31 : memref<!tpu.dma_semaphore, #tpu.memory_space<semaphore_mem>>) src(%arg15 : memref<512x1024xf32, #tpu.memory_space<vmem>>) dst(%dma_wait3A_619 : memref<512x1024xf32, #tpu.memory_space<any>>)
    %dma_wait3A_620 = arith.constant 3 : i32
    %dma_wait3A_621 = arith.constant 6144 : i32
    %dma_wait3A_622 = arith.constant 0 : i32
    %dma_wait3A_623 = tpu.memref_slice %arg1[%dma_wait3A_620, %dma_wait3A_621, %dma_wait3A_622] : memref<4x8192x1024xf32, #tpu.memory_space<any>> -> memref<1x512x1024xf32, #tpu.memory_space<any>>
    %dma_wait3A_624 = tpu.memref_squeeze %dma_wait3A_623 : memref<1x512x1024xf32, #tpu.memory_space<any>> -> memref<512x1024xf32, #tpu.memory_space<any>>
    tpu.wait_dma2 semaphore(%arg31 : memref<!tpu.dma_semaphore, #tpu.memory_space<semaphore_mem>>) src(%arg15 : memref<512x1024xf32, #tpu.memory_space<vmem>>) dst(%dma_wait3A_624 : memref<512x1024xf32, #tpu.memory_space<any>>)
    %dma_wait3A_625 = arith.constant 0 : i32
    %dma_wait3A_626 = arith.constant 6656 : i32
    %dma_wait3A_627 = arith.constant 0 : i32
    %dma_wait3A_628 = tpu.memref_slice %arg1[%dma_wait3A_625, %dma_wait3A_626, %dma_wait3A_627] : memref<4x8192x1024xf32, #tpu.memory_space<any>> -> memref<1x512x1024xf32, #tpu.memory_space<any>>
    %dma_wait3A_629 = tpu.memref_squeeze %dma_wait3A_628 : memref<1x512x1024xf32, #tpu.memory_space<any>> -> memref<512x1024xf32, #tpu.memory_space<any>>
    tpu.wait_dma2 semaphore(%arg31 : memref<!tpu.dma_semaphore, #tpu.memory_space<semaphore_mem>>) src(%arg16 : memref<512x1024xf32, #tpu.memory_space<vmem>>) dst(%dma_wait3A_629 : memref<512x1024xf32, #tpu.memory_space<any>>)
    %dma_wait3A_630 = arith.constant 1 : i32
    %dma_wait3A_631 = arith.constant 6656 : i32
    %dma_wait3A_632 = arith.constant 0 : i32
    %dma_wait3A_633 = tpu.memref_slice %arg1[%dma_wait3A_630, %dma_wait3A_631, %dma_wait3A_632] : memref<4x8192x1024xf32, #tpu.memory_space<any>> -> memref<1x512x1024xf32, #tpu.memory_space<any>>
    %dma_wait3A_634 = tpu.memref_squeeze %dma_wait3A_633 : memref<1x512x1024xf32, #tpu.memory_space<any>> -> memref<512x1024xf32, #tpu.memory_space<any>>
    tpu.wait_dma2 semaphore(%arg31 : memref<!tpu.dma_semaphore, #tpu.memory_space<semaphore_mem>>) src(%arg16 : memref<512x1024xf32, #tpu.memory_space<vmem>>) dst(%dma_wait3A_634 : memref<512x1024xf32, #tpu.memory_space<any>>)
    %dma_wait3A_635 = arith.constant 2 : i32
    %dma_wait3A_636 = arith.constant 6656 : i32
    %dma_wait3A_637 = arith.constant 0 : i32
    %dma_wait3A_638 = tpu.memref_slice %arg1[%dma_wait3A_635, %dma_wait3A_636, %dma_wait3A_637] : memref<4x8192x1024xf32, #tpu.memory_space<any>> -> memref<1x512x1024xf32, #tpu.memory_space<any>>
    %dma_wait3A_639 = tpu.memref_squeeze %dma_wait3A_638 : memref<1x512x1024xf32, #tpu.memory_space<any>> -> memref<512x1024xf32, #tpu.memory_space<any>>
    tpu.wait_dma2 semaphore(%arg31 : memref<!tpu.dma_semaphore, #tpu.memory_space<semaphore_mem>>) src(%arg16 : memref<512x1024xf32, #tpu.memory_space<vmem>>) dst(%dma_wait3A_639 : memref<512x1024xf32, #tpu.memory_space<any>>)
    %dma_wait3A_640 = arith.constant 3 : i32
    %dma_wait3A_641 = arith.constant 6656 : i32
    %dma_wait3A_642 = arith.constant 0 : i32
    %dma_wait3A_643 = tpu.memref_slice %arg1[%dma_wait3A_640, %dma_wait3A_641, %dma_wait3A_642] : memref<4x8192x1024xf32, #tpu.memory_space<any>> -> memref<1x512x1024xf32, #tpu.memory_space<any>>
    %dma_wait3A_644 = tpu.memref_squeeze %dma_wait3A_643 : memref<1x512x1024xf32, #tpu.memory_space<any>> -> memref<512x1024xf32, #tpu.memory_space<any>>
    tpu.wait_dma2 semaphore(%arg31 : memref<!tpu.dma_semaphore, #tpu.memory_space<semaphore_mem>>) src(%arg16 : memref<512x1024xf32, #tpu.memory_space<vmem>>) dst(%dma_wait3A_644 : memref<512x1024xf32, #tpu.memory_space<any>>)
    return
  }
}

module attributes {stable_mosaic.version = 14 : i64} {
  func.func @_alloc_body(%arg0: memref<4x8192x1024xf32, #tpu.memory_space<any>>) attributes {dimension_semantics = [], scalar_prefetch = 0 : i64, scratch_operands = 0 : i64, tpu.core_type = #tpu.core_type<tc>} {
    return
  }
}

</mosaic_0001>

<sc_bundles>
// kernel: kernel.6.cloned.1.call-start
scs
__scs_entry_jumppad:
0x0: {  	(pc) =	sbr.rel $0x88, $3  }
0x1: {  	(tag) =	ssettag $0x0;
	lr =	simm.s32 $0x1  }
0x2: {  	[smem:$0x3FA0] =	sst lr;
	_ =	strace $0xD0000000  }
0x3: {  	_ = 	snop  }
0x4: {  	_ = 	snop  }
0x5: {  	_ = 	snop  }
0x6: {  	_ = 	snop  }
0x7: {  	_ = 	snop  }
__scs_overlays_trampoline_lowered:
0x8: {  	[smem:$0x3FAF] =	sst s0  }
0x9: {  	[smem:$0x3FB0] =	sst s1  }
0xa: {  	[smem:$0x3FB1] =	sst s2  }
0xb: {  	[smem:$0x3FB2] =	sst s3  }
0xc: {  	[smem:$0x3FB3] =	sst s4  }
0xd: {  	[smem:$0x3FB4] =	sst s5  }
0xe: {  	[smem:$0x3FB5] =	sst s6  }
0xf: {  	[smem:$0x3FB6] =	sst s7  }
0x10: {  	[smem:$0x3FB7] =	sst s8  }
0x11: {  	[smem:$0x3FB8] =	sst s9;
	s0 =	simm.s32 @!p0 $0x0  }
0x12: {  	s1 =	sld [smem:$0x3F9E];
	s0 =	simm.s32 @p0 $0x1  }
0x13: {  	[smem:$0x3FB9] =	sst s0;
	s0 =	simm.s32 @!p1 $0x0  }
0x14: {  	s2 =	sld [smem:$0x3F9D];
	s0 =	simm.s32 @p1 $0x1  }
0x15: {  	[smem:$0x3FBA] =	sst s0;
	s0 =	simm.s32 @!p2 $0x0  }
0x16: {  	s3 =	sld [smem:$0x3FDB];
	s0 =	simm.s32 @p2 $0x1  }
0x17: {  	s4 =	simm.s32 $0x1BF5;
	[smem:$0x3FBC] =	sst s0  }
0x18: {  	s0 =	sld [smem:$0x3F9F];
	_ =	swait.ge [sflag:s4], $0x0  }
0x19: {  	s7 =	sld [smem:$0x3FA0]  }
0x1a: {  	s8 =	sadd.s32 $0xFFFFE003, lr  }
0x1b: {  	s9 =	sadd.s32 $0xFFFFFEF7, lr;
	s5 =	simm.s32 $0xFFFFFFFF;
	p2 =	slt.u32 s8, $0xFFFFF086  }
0x1c: {  	p1 =	slt.u32 s9, $0xF7A;
	s5 =	simm.s32 @!p2 $0x0  }
0x1d: {  	s5 =	simm.s32 @p1 $0x1;
	p0 =	seq.s32 s7, s2  }
0x1e: {  	s7 =	smul.u32 @!p0 $0xF7A, s2;
	p2 =	seq.s32 @!p0 s5, $0x0  }
0x1f: {  	s9 =	smul.u32 $0xF7A, s1;
	s8 =	simm.s32 @!p0 $0x1BF5;
	p2 =	por !p2, p0  }
0x20: {  	[sflag:s8] =	ssyncset.s32 @!p0 $0xFFFFF086;
	s6 =	sadd.s32 @!p0 s3, s7;
	s7 =	simm.s32 @!p0 $0x108  }
0x21: {  	s3 =	sadd.s32 s3, s9;
	s6 =	sadd.s32 @!p0 $0x88, s6;
	s7 =	simm.s32 @p2 $0x1082  }
0x22: {  	[simem:s7], [sflag:s8] =	dma.local @!p0 [hbm:s6], $0xF7A  }
0x23: {  	s9 =	sor.u32 $0xD0000000, s2;
	s6 =	simm.s32 $0x108;
	_ =	swait.ge @!p0 [sflag:s8], $0x0  }
0x24: {  	s3 =	sadd.s32 $0x88, s3;
	s6 =	simm.s32 @!p1 $0x1082;
	[sflag:s4] =	ssyncset.s32 $0xFFFFF086  }
0x25: {  	[simem:s6], [sflag:s4] =	dma.local [hbm:s3], $0xF7A  }
0x26: {  	[smem:$0x3FA0] =	sst s1;
	(tag) =	ssettag s2;
	_ =	strace s9  }
0x27: {  	s1 =	sld [smem:$0x3FB0]  }
0x28: {  	s2 =	sld [smem:$0x3FB1]  }
0x29: {  	s4 =	sld [smem:$0x3FB3]  }
0x2a: {  	p0 =	seq.s32 s5, $0x0;
	s5 =	sld [smem:$0x3FB4]  }
0x2b: {  	s6 =	sld [smem:$0x3FB5]  }
0x2c: {  	s7 =	sld [smem:$0x3FB6]  }
0x2d: {  	s3 =	simm.s32 $0x108;
	s8 =	sld [smem:$0x3FB7]  }
0x2e: {  	s3 =	simm.s32 @!p0 $0x1082;
	s9 =	sld [smem:$0x3FB8]  }
0x2f: {  	lr =	sadd.s32 s0, s3;
	s0 =	sld [smem:$0x3FAF]  }
0x30: {  	s3 =	sld [smem:$0x3FB2]  }
0x31: {  	[smem:$0x3FBB] =	sst s10  }
0x32: {  	s10 =	sld [smem:$0x3FB9];
	_ =	sdelay $0x3  }
0x33: {  	p0 =	seq.s32 s10, $0x1;
	s10 =	sld [smem:$0x3FBB];
	_ =	sdelay $0x3  }
0x34: {  	[smem:$0x3FBB] =	sst s10  }
0x35: {  	s10 =	sld [smem:$0x3FBA];
	_ =	sdelay $0x3  }
0x36: {  	p1 =	seq.s32 s10, $0x1;
	s10 =	sld [smem:$0x3FBB];
	_ =	sdelay $0x3  }
0x37: {  	[smem:$0x3FBB] =	sst s10  }
0x38: {  	s10 =	sld [smem:$0x3FBC]  }
0x39: {  	_ = 	snop;
	(pc) =	sbr.ind lr, $3  }
0x3a: {  	_ = 	snop  }
0x3b: {  	_ = 	snop  }
0x3c: {  	p2 =	seq.s32 s10, $0x1;
	s10 =	sld [smem:$0x3FBB]  }
0x3d: {  	_ =	shalt  }
0x3e: {  	_ =	shalt  }
0x3f: {  	_ =	shalt  }
0x40: {  	_ =	shalt  }
0x41: {  	_ =	shalt  }
0x42: {  	_ =	shalt  }
0x43: {  	_ =	shalt  }
0x44: {  	_ =	shalt  }
0x45: {  	_ =	shalt  }
0x46: {  	_ =	shalt  }
0x47: {  	_ =	shalt  }
0x48: {  	_ =	shalt  }
0x49: {  	_ =	shalt  }
0x4a: {  	_ =	shalt  }
0x4b: {  	_ =	shalt  }
0x4c: {  	_ =	shalt  }
0x4d: {  	_ =	shalt  }
0x4e: {  	_ =	shalt  }
0x4f: {  	_ =	shalt  }
0x50: {  	_ =	shalt  }
0x51: {  	_ =	shalt  }
0x52: {  	_ =	shalt  }
0x53: {  	_ =	shalt  }
0x54: {  	_ =	shalt  }
0x55: {  	_ =	shalt  }
0x56: {  	_ =	shalt  }
0x57: {  	_ =	shalt  }
0x58: {  	_ =	shalt  }
0x59: {  	_ =	shalt  }
0x5a: {  	_ =	shalt  }
0x5b: {  	_ =	shalt  }
0x5c: {  	_ =	shalt  }
0x5d: {  	_ =	shalt  }
0x5e: {  	_ =	shalt  }
0x5f: {  	_ =	shalt  }
0x60: {  	_ =	shalt  }
0x61: {  	_ =	shalt  }
0x62: {  	_ =	shalt  }
0x63: {  	_ =	shalt  }
0x64: {  	_ =	shalt  }
0x65: {  	_ =	shalt  }
0x66: {  	_ =	shalt  }
0x67: {  	_ =	shalt  }
0x68: {  	_ =	shalt  }
0x69: {  	_ =	shalt  }
0x6a: {  	_ =	shalt  }
0x6b: {  	_ =	shalt  }
0x6c: {  	_ =	shalt  }
0x6d: {  	_ =	shalt  }
0x6e: {  	_ =	shalt  }
0x6f: {  	_ =	shalt  }
0x70: {  	_ =	shalt  }
0x71: {  	_ =	shalt  }
0x72: {  	_ =	shalt  }
0x73: {  	_ =	shalt  }
0x74: {  	_ =	shalt  }
0x75: {  	_ =	shalt  }
0x76: {  	_ =	shalt  }
0x77: {  	_ =	shalt  }
0x78: {  	_ =	shalt  }
0x79: {  	_ =	shalt  }
0x7a: {  	_ =	shalt  }
0x7b: {  	_ =	shalt  }
0x7c: {  	_ =	shalt  }
0x7d: {  	_ =	shalt  }
0x7e: {  	_ =	shalt  }
0x7f: {  	_ =	shalt  }
0x80: {  	_ =	shalt  }
0x81: {  	_ =	shalt  }
0x82: {  	_ =	shalt  }
0x83: {  	_ =	shalt  }
0x84: {  	_ =	shalt  }
0x85: {  	_ =	shalt  }
0x86: {  	_ =	shalt  }
0x87: {  	_ =	shalt  }
.Lfunc_end0:
.L_simem_size_0:
called_computation_lowered:
.L_overlay_start_0:
0x88: {  	s2 =	sld [smem:$0x3FD9]  }
0x89: {  	s3 =	sld [smem:$0x3FFE];
	_ =	sdelay $0x1  }
0x8a: {  	s1 =	srdreg.scid  }
0x8b: {  	s0 =	sand.u32 $0x1, s1  }
0x8c: {  	s18 =	sshll.u32 s0, $0xA;
	s2 =	sadd.s32 s3, s2  }
0x8d: {  	s2 =	sadd.s32 s2, s18  }
0x8e: {  	[smem:$0x3FC7] =	sst s2  }
0x8f: {  	_ = 	snop  }
0x90: {  	s2 =	sld [smem:$0x3FC9]  }
0x91: {  	s19 =	sld [smem:$0x3FD0];
	(tm) =	ssettm $0x1  }
0x92: {  	s4 =	sld [smem:$0x3FFB];
	_ =	sdelay $0x3  }
0x93: {  	_ =	strace s4  }
0x94: {  	s4 =	sld [smem:$0x3FFC];
	_ =	sdelay $0x3  }
0x95: {  	_ =	strace s4  }
0x96: {  	s4 =	sld [smem:$0x3FFD];
	_ =	sdelay $0x3  }
0x97: {  	_ =	strace s4  }
0x98: {  	_ =	strace $0x8FFFFFFF  }
0x99: {  	s20 =	sld [smem:$0x3FDB];
	_ =	sdelay $0x1  }
0x9a: {  	s5 =	simm.s32 $_scs_section_size  }
0x9b: {  	s6 =	simm.s32 $_size__tile_overlayer_lowered;
	s7 =	simm.s32 $_tile_overlayer_lowered  }
0x9c: {  	s23 =	simm.s32 $0x1BFF;
	s22 =	sshll.u32 s7, $0x1;
	s4 =	sadd.s32 s5, s20  }
0x9d: {  	s8 =	simm.s32 $0x0;
	s21 =	sshll.u32 s6, $0x1;
	s6 =	sadd.s32 s22, s4  }
0x9e: {  	[timem:s8], [sflag:s23] =	dma.local [hbm:s6], s21  }
0x9f: {  	_ =	swait.ge [sflag:s23], s21  }
0xa0: {  	s5 =	ssub.s32 $0x0, s21;
	[sflag:s23] =	ssyncset.done $0x0  }
0xa1: {  	[sflag:s23] =	ssyncadd.s32 s5;
	_ =	sdelay $0x1  }
0xa2: {  	s24 =	simm.s32 $0x1B8B  }
0xa3: {  	_ =	swait.ge [sflag:s24], $0x1  }
0xa4: {  	[sflag:s24] =	ssyncset.done $0x0  }
0xa5: {  	s25 =	simm.s32 $0x1B8E;
	[sflag:s24] =	ssyncadd.s32 $0xFFFFFFFF  }
0xa6: {  	s26 =	simm.s32 $execute0_lowered;
	[smem:$0x3FD2] =	sst s25  }
0xa7: {  	s5 =	sshll.u32 s26, $0x1;
	_ =	strace $0x80000046;
	[dreg:$0x1] =	wrdreg $0xFFFFFFFF  }
0xa8: {  	s28 =	simm.s32 $_size_execute0_lowered;
	s4 =	sadd.s32 s4, s5;
	[dreg:$0x0] =	wrdreg $0x0  }
0xa9: {  	s5 =	sshll.u32 s28, $0x1;
	[dreg:$0x2] =	wrdreg s4  }
0xaa: {  	[dreg:$0x3] =	wrdreg s5  }
0xab: {  	[dreg:$0x4] =	wrdreg $0xC0  }
0xac: {  	_ =	task [dreg:s8], $0x5FFFF  }
0xad: {  	[dreg:$0x1] =	wrdreg $0xFFFFFFFF  }
0xae: {  	[dreg:$0x0] =	wrdreg $0x60  }
0xaf: {  	[dreg:$0x2] =	wrdreg s2  }
0xb0: {  	[dreg:$0x3] =	wrdreg s19  }
0xb1: {  	[dreg:$0x4] =	wrdreg $0x9  }
0xb2: {  	_ =	task.clear_ibuf [dreg:s8], $0x5FFFF;
	_ =	strace $0x90000046  }
0xb3: {  	s29 =	simm.s32 $0x9;
	_ =	strace $0x80000048  }
0xb4: {  	_ =	swait.ge [sflag:s29], $0x1  }
0xb5: {  	[sflag:s29] =	ssyncadd.s32 $0xFFFFFFFF  }
0xb6: {  	_ =	strace $0x90000048  }
0xb7: {  	_ =	sfence  }
0xb8: {  	s30 =	sld [smem:$0x0];
	_ =	sdelay $0x2  }
0xb9: {  	s31 =	sshll.u32 s1, $0xD;
	s1 =	sshrl.u32 s1, $0x2  }
0xba: {  	s3 =	sand.u32 $0x4000, s31;
	s1 =	sadd.s32 s1, s30  }
0xbb: {  	s0 =	sor.u32 s3, s0;
	s1 =	sshll.u32 s1, $0x11  }
0xbc: {  	s0 =	sor.u32 s1, s0  }
0xbd: {  	s0 =	sadd.s32 $0x8F2B, s0  }
0xbe: {  	[sflag:s0] =	ssyncadd.remote.s32 $0x1  }
0xbf: {  	_ =	sfence.sel $0xFFFF  }
0xc0: {  	[dreg:$0x0] =	wrdreg $0xFFFFFFFF;
	(pc) =	sbr.abs _section_cstart, $3  }
0xc1: {  	[dreg:$0x1] =	wrdreg $0xFFFFFFFF  }
0xc2: {  	_ =	task.clear_ibuf [dreg:s8], $0x2FFFF;
	_ =	strace $0x9FFFFFFF  }
0xc3: {  	(tm) =	ssettm $0x7FFFFFFF  }
tec
execute0_lowered:
.L_overlay_start_1:
0x0: {  	(tag) =	ssettag $0x1  }
0x1: {  	s1 =	srdreg.scid  }
0x2: {  	s4 =	rddreg [dreg:$0x0];
	s0 =	stileid.u32;
	s17 =	sand.u32 $0x1, s1  }
0x3: {  	s12 =	rddreg [dreg:$0x1];
	s3 =	sshll.u32 s0, $0xD;
	s5 =	sshll.u32 s17, $0xC  }
0x4: {  	s2 =	simm.s32 $0x0;
	s1 =	rddreg [dreg:$0x2];
	s8 =	sor.u32 s5, s3  }
0x5: {  	[smem:$0x7FF] =	sst s2;
	s7 =	sor.u32 $0xE0000, s8  }
0x6: {  	_ =	strace $0x80000047;
	s13 =	sor.u32 $0xE0800, s8;
	s3 =	sadd.s32 s4, s7  }
0x7: {  	[tilespmem:s2], [sflag:$0x1] =	stream.linear.gather [hbm4b:s3+s2], $0x4000, $0x38;
	[tilespmem:$0x8000] =	vst v63  }
0x8: {  	s6 =	simm.s32 $0x1;
	s5 =	simm.s32 $0x4000;
	s4 =	sadd.s32 s4, s13  }
0x9: {  	[tilespmem:s5], [sflag:$0x2] =	stream.linear.gather [hbm4b:s4+s2], $0x4000, $0x38;
	[tilespmem:$0x8000] =	vst v63  }
0xa: {  	_ =	swait.ge [sflag:s6], $0x4000  }
0xb: {  	[sflag:s6] =	ssyncset.done $0x0  }
0xc: {  	s15 =	sadd.s32 s8, s12;
	s7 =	sadd.s32 s12, s7;
	[sflag:s6] =	ssyncadd.s32 $0xFFFFC000  }
0xd: {  	[hbm4b:s7+s2] =	stream.linear.scatter [tilespmem:s2], [sflag:$0x3], $0x4000, $0x38;
	[tilespmem:$0x8000] =	vst v63  }
0xe: {  	s8 =	sadd.s32 $0x1E0000, s15  }
0xf: {  	[hbm4b:s8+s2] =	stream.linear.scatter [tilespmem:s2], [sflag:$0x3], $0x4000, $0x38;
	[tilespmem:$0x8000] =	vst v63  }
0x10: {  	s9 =	sadd.s32 $0x2E0000, s15  }
0x11: {  	[hbm4b:s9+s2] =	stream.linear.scatter [tilespmem:s2], [sflag:$0x3], $0x4000, $0x38;
	[tilespmem:$0x8000] =	vst v63  }
0x12: {  	s11 =	simm.s32 $0x2;
	s10 =	sadd.s32 $0x3E0000, s15  }
0x13: {  	[hbm4b:s10+s2] =	stream.linear.scatter [tilespmem:s2], [sflag:$0x3], $0x4000, $0x38;
	[tilespmem:$0x8000] =	vst v63  }
0x14: {  	_ =	swait.ge [sflag:s11], $0x4000  }
0x15: {  	[sflag:s11] =	ssyncset.done $0x0  }
0x16: {  	s12 =	sadd.s32 s12, s13;
	[sflag:s11] =	ssyncadd.s32 $0xFFFFC000  }
0x17: {  	[hbm4b:s12+s2] =	stream.linear.scatter [tilespmem:s5], [sflag:$0x3], $0x4000, $0x38;
	[tilespmem:$0x8000] =	vst v63  }
0x18: {  	s13 =	sadd.s32 $0x1E0800, s15  }
0x19: {  	[hbm4b:s13+s2] =	stream.linear.scatter [tilespmem:s5], [sflag:$0x3], $0x4000, $0x38;
	[tilespmem:$0x8000] =	vst v63  }
0x1a: {  	s14 =	sadd.s32 $0x2E0800, s15  }
0x1b: {  	[hbm4b:s14+s2] =	stream.linear.scatter [tilespmem:s5], [sflag:$0x3], $0x4000, $0x38;
	[tilespmem:$0x8000] =	vst v63  }
0x1c: {  	s16 =	sadd.s32 $0x3E0800, s15;
	s15 =	simm.s32 $0x3  }
0x1d: {  	[hbm4b:s16+s2] =	stream.linear.scatter [tilespmem:s5], [sflag:$0x3], $0x4000, $0x38;
	[tilespmem:$0x8000] =	vst v63  }
0x1e: {  	_ =	swait.ge [sflag:s15], $0x4000  }
0x1f: {  	[sflag:s15] =	ssyncset.done $0x0  }
0x20: {  	[sflag:s15] =	ssyncadd.s32 $0xFFFFC000  }
0x21: {  	_ =	swait.ge [sflag:s15], $0x4000  }
0x22: {  	[sflag:s15] =	ssyncset.done $0x0  }
0x23: {  	[sflag:s15] =	ssyncadd.s32 $0xFFFFC000  }
0x24: {  	_ =	swait.ge [sflag:s15], $0x4000  }
0x25: {  	[sflag:s15] =	ssyncset.done $0x0  }
0x26: {  	[sflag:s15] =	ssyncadd.s32 $0xFFFFC000  }
0x27: {  	_ =	swait.ge [sflag:s15], $0x4000  }
0x28: {  	[sflag:s15] =	ssyncset.done $0x0  }
0x29: {  	[sflag:s15] =	ssyncadd.s32 $0xFFFFC000  }
0x2a: {  	_ =	swait.ge [sflag:s15], $0x4000  }
0x2b: {  	s17 =	ssub.s32 $0x2, s17;
	[sflag:s15] =	ssyncset.done $0x0  }
0x2c: {  	s18 =	sshrl.u32 s17, $0x1;
	[sflag:s15] =	ssyncadd.s32 $0xFFFFC000  }
0x2d: {  	s17 =	ssub.s32 s17, s18;
	_ =	swait.ge [sflag:s15], $0x4000  }
0x2e: {  	s17 =	smax.u32 s17, $0x1;
	[sflag:s15] =	ssyncset.done $0x0  }
0x2f: {  	p0 =	sne.s32 s17, $0x1;
	[sflag:s15] =	ssyncadd.s32 $0xFFFFC000  }
.Ltmp0:
0x30: {  	_ =	swait.ge [sflag:s15], $0x4000;
	(pc) =	sbr.rel @!p0 .LBB2_2-.Ltmp0, $4  }
0x31: {  	[sflag:s15] =	ssyncset.done $0x0  }
0x32: {  	[sflag:s15] =	ssyncadd.s32 $0xFFFFC000  }
0x33: {  	_ =	swait.ge [sflag:s15], $0x4000  }
0x34: {  	s17 =	sadd.s32 $0xFFFFFFFF, s17;
	[sflag:s15] =	ssyncset.done $0x0  }
.LBB2_1:
0x35: {  	p0 =	sne.s32 s17, $0x1;
	s17 =	sadd.s32 $0xFFFFFFFF, s17;
	[sflag:s15] =	ssyncadd.s32 $0xFFFFC000  }
0x36: {  	[tilespmem:s2], [sflag:$0x1] =	stream.linear.gather [hbm4b:s3+s2], $0x4000, $0x38;
	[tilespmem:$0x8000] =	vst v63  }
0x37: {  	_ = 	snop  }
0x38: {  	[tilespmem:s5], [sflag:$0x2] =	stream.linear.gather [hbm4b:s4+s2], $0x4000, $0x38;
	[tilespmem:$0x8000] =	vst v63  }
0x39: {  	_ =	swait.ge [sflag:s6], $0x4000  }
0x3a: {  	[sflag:s6] =	ssyncset.done $0x0  }
0x3b: {  	[sflag:s6] =	ssyncadd.s32 $0xFFFFC000  }
0x3c: {  	[hbm4b:s7+s2] =	stream.linear.scatter [tilespmem:s2], [sflag:$0x3], $0x4000, $0x38;
	[tilespmem:$0x8000] =	vst v63  }
0x3d: {  	_ = 	snop  }
0x3e: {  	[hbm4b:s8+s2] =	stream.linear.scatter [tilespmem:s2], [sflag:$0x3], $0x4000, $0x38;
	[tilespmem:$0x8000] =	vst v63  }
0x3f: {  	_ = 	snop  }
0x40: {  	[hbm4b:s9+s2] =	stream.linear.scatter [tilespmem:s2], [sflag:$0x3], $0x4000, $0x38;
	[tilespmem:$0x8000] =	vst v63  }
0x41: {  	_ = 	snop  }
0x42: {  	[hbm4b:s10+s2] =	stream.linear.scatter [tilespmem:s2], [sflag:$0x3], $0x4000, $0x38;
	[tilespmem:$0x8000] =	vst v63  }
0x43: {  	_ =	swait.ge [sflag:s11], $0x4000  }
0x44: {  	[sflag:s11] =	ssyncset.done $0x0  }
0x45: {  	[sflag:s11] =	ssyncadd.s32 $0xFFFFC000  }
0x46: {  	[hbm4b:s12+s2] =	stream.linear.scatter [tilespmem:s5], [sflag:$0x3], $0x4000, $0x38;
	[tilespmem:$0x8000] =	vst v63  }
0x47: {  	_ = 	snop  }
0x48: {  	[hbm4b:s13+s2] =	stream.linear.scatter [tilespmem:s5], [sflag:$0x3], $0x4000, $0x38;
	[tilespmem:$0x8000] =	vst v63  }
0x49: {  	_ = 	snop  }
0x4a: {  	[hbm4b:s14+s2] =	stream.linear.scatter [tilespmem:s5], [sflag:$0x3], $0x4000, $0x38;
	[tilespmem:$0x8000] =	vst v63  }
0x4b: {  	_ = 	snop  }
0x4c: {  	[hbm4b:s16+s2] =	stream.linear.scatter [tilespmem:s5], [sflag:$0x3], $0x4000, $0x38;
	[tilespmem:$0x8000] =	vst v63  }
0x4d: {  	_ =	swait.ge [sflag:s15], $0x4000  }
0x4e: {  	[sflag:s15] =	ssyncset.done $0x0  }
0x4f: {  	[sflag:s15] =	ssyncadd.s32 $0xFFFFC000  }
0x50: {  	_ =	swait.ge [sflag:s15], $0x4000  }
0x51: {  	[sflag:s15] =	ssyncset.done $0x0  }
0x52: {  	[sflag:s15] =	ssyncadd.s32 $0xFFFFC000  }
0x53: {  	_ =	swait.ge [sflag:s15], $0x4000  }
0x54: {  	[sflag:s15] =	ssyncset.done $0x0  }
0x55: {  	[sflag:s15] =	ssyncadd.s32 $0xFFFFC000  }
0x56: {  	_ =	swait.ge [sflag:s15], $0x4000  }
0x57: {  	[sflag:s15] =	ssyncset.done $0x0  }
0x58: {  	[sflag:s15] =	ssyncadd.s32 $0xFFFFC000  }
0x59: {  	_ =	swait.ge [sflag:s15], $0x4000  }
0x5a: {  	[sflag:s15] =	ssyncset.done $0x0  }
0x5b: {  	[sflag:s15] =	ssyncadd.s32 $0xFFFFC000  }
0x5c: {  	_ =	swait.ge [sflag:s15], $0x4000  }
0x5d: {  	[sflag:s15] =	ssyncset.done $0x0  }
0x5e: {  	[sflag:s15] =	ssyncadd.s32 $0xFFFFC000  }
.Ltmp1:
0x5f: {  	_ =	swait.ge [sflag:s15], $0x4000;
	(pc) =	sbr.rel @p0 .LBB2_1-.Ltmp1, $4  }
0x60: {  	[sflag:s15] =	ssyncset.done $0x0  }
0x61: {  	[sflag:s15] =	ssyncadd.s32 $0xFFFFC000  }
0x62: {  	_ =	swait.ge [sflag:s15], $0x4000  }
0x63: {  	[sflag:s15] =	ssyncset.done $0x0  }
.LBB2_2:
0x64: {  	[sflag:s15] =	ssyncadd.s32 $0xFFFFC000  }
0x65: {  	_ =	sfence.sel $0x180000  }
0x66: {  	[bflag:$0x0] =	sbarrier.arrive $0xFFFF  }
0x67: {  	p0 =	sne.s32 s0, $0x0;
	_ =	strace $0x90000047  }
0x68: {  	s0 =	sadd.s32 @!p0 $0x100000, s1;
	[bflag:$0x2] =	sbarrier.arrive $0xFFFF  }
0x69: {  	[sflag:s0] =	ssyncadd.tile.s32 @!p0 $0x1;
	_ =	shalt  }
.Lfunc_end2:
_tile_overlayer_lowered:
.L_overlay_start_2:
0x6a: {  	(tag) =	ssettag $0x2  }
0x6b: {  	s0 =	rddreg [dreg:$0x0];
	s2 =	stileid.u32  }
0x6c: {  	s1 =	rddreg [dreg:$0x1];
	p0 =	sne.s32 s2, $0x0  }
0x6d: {  	s3 =	rddreg [dreg:$0x2];
	[bflag:$0x3] =	sbarrier.arrive $0xFFFF;
	s2 =	simm.s32 @!p0 $0x1C04  }
0x6e: {  	[timem:s3], [sflag:s2] =	dma.local @!p0 [hbm:s0], s1  }
0x6f: {  	s0 =	simm.s32 @!p0 $0x4  }
0x70: {  	_ =	swait.ge @!p0 [sflag:s0], s1  }
0x71: {  	s1 =	ssub.s32 @!p0 $0x0, s1;
	[sflag:s0] =	ssyncset.done @!p0 $0x0  }
0x72: {  	[sflag:s0] =	ssyncadd.s32 @!p0 s1  }
0x73: {  	[bflag:$0x3] =	sbarrier.arrive $0xFFFF  }
0x74: {  	_ =	shalt  }

</sc_bundles>
